<compile_context>
chip_gen: v7x
topology: tpu7x:2x2x1
jax: 0.10.2.dev20260603
libtpu: 0.0.44.dev20260713+nightly
codegen_flags: <defaults>
</compile_context>

<pallas_src>
import functools

import jax
import jax.numpy as jnp
from jax import lax
from jax.experimental import pallas as pl
from jax.experimental.pallas import tpu as pltpu
from jax.experimental.pallas import tpu_sc as plsc

N = 10000
H = 128
E = 320000
D = 32
OUT = 128

NW = 32
C = 128
EPT = 10112
NCHUNK = EPT // C
E_PAD = NW * EPT
N_PAD = E_PAD // D
NPT = N_PAD // NW
EXT = 2504 * 128

_mesh = plsc.VectorSubcoreMesh(core_axis_name="c", subcore_axis_name="s")


def _wid():
    return lax.axis_index("s") * 2 + lax.axis_index("c")


def _edge_h_body(t_hbm, k_hbm, i_hbm, h_hbm, idxk_v, idxi_v, tk_v, ti_v, h_v, sem):
    wid = _wid()

    def chunk(c, carry):
        ebase = wid * EPT + c * C
        pltpu.sync_copy(k_hbm.at[pl.ds(ebase, C)], idxk_v)
        pltpu.sync_copy(i_hbm.at[pl.ds(ebase, C)], idxi_v)
        d1 = pltpu.async_copy(t_hbm.at[idxk_v], tk_v, sem)
        d2 = pltpu.async_copy(t_hbm.at[idxi_v], ti_v, sem)
        d1.wait()
        d2.wait()

        def row(r, rc):
            for j in range(8):
                du = tk_v[r, pl.ds(j * 16, 16)] - ti_v[r, pl.ds(j * 16, 16)]
                dx = tk_v[r, pl.ds(128 + j * 16, 16)] - ti_v[r, pl.ds(128 + j * 16, 16)]
                h_v[r, pl.ds(j * 16, 16)] = du * dx
            return rc

        lax.fori_loop(0, C, row, 0)
        pltpu.sync_copy(h_v, h_hbm.at[pl.ds(ebase, C)])
        return carry

    lax.fori_loop(0, NCHUNK, chunk, 0)


@functools.partial(jax.jit, static_argnames=())
def _edge_h(t, kp, ip):
    return pl.kernel(
        _edge_h_body,
        out_type=jax.ShapeDtypeStruct((E_PAD, H), jnp.float32),
        mesh=_mesh,
        scratch_types=[
            pltpu.VMEM((C,), jnp.int32),
            pltpu.VMEM((C,), jnp.int32),
            pltpu.VMEM((C, 2 * H), jnp.float32),
            pltpu.VMEM((C, 2 * H), jnp.float32),
            pltpu.VMEM((C, H), jnp.float32),
            pltpu.SemaphoreType.DMA,
        ],
    )(t, kp, ip)


def _mlp_body(h_ref, w1t_ref, b1_ref, w2_ref, out_ref):
    h1 = jnp.dot(h_ref[...], w1t_ref[...], preferred_element_type=jnp.float32)
    h1 = jnp.maximum(h1 + b1_ref[...], 0.0)
    lg = jnp.dot(h1, w2_ref[...], preferred_element_type=jnp.float32)
    out_ref[...] = lg.reshape(out_ref.shape)


def _edge_mlp(h, w1t, b1, w2col):
    eblk = 2048
    grid = (E_PAD // eblk,)
    return pl.pallas_call(
        _mlp_body,
        grid=grid,
        in_specs=[
            pl.BlockSpec((eblk, H), lambda i: (i, 0)),
            pl.BlockSpec((H, H), lambda i: (0, 0)),
            pl.BlockSpec((1, H), lambda i: (0, 0)),
            pl.BlockSpec((H, 1), lambda i: (0, 0)),
        ],
        out_specs=pl.BlockSpec((eblk // 128, 128), lambda i: (i, 0)),
        out_shape=jax.ShapeDtypeStruct((E_PAD // 128, 128), jnp.float32),
    )(h, w1t, b1, w2col)


def _softmax_body(l_ref, a_ref):
    l = l_ref[...]
    m = jnp.max(l)
    e = jnp.exp(l - m)
    a_ref[...] = e / jnp.sum(e)


def _softmax(logits_valid):
    return pl.pallas_call(
        _softmax_body,
        out_shape=jax.ShapeDtypeStruct((E // 128, 128), jnp.float32),
    )(logits_valid)


def _agg_body(nb_hbm, al_hbm, ke_hbm, x_hbm, agg_hbm,
              idxe_v, aval_v, kidx_v, rows_v, acc_v, sem):
    wid = _wid()

    def chunk(c, carry):
        sbase = wid * EPT + c * C
        pltpu.sync_copy(nb_hbm.at[pl.ds(sbase, C)], idxe_v)
        d1 = pltpu.async_copy(al_hbm.at[idxe_v], aval_v, sem)
        d2 = pltpu.async_copy(ke_hbm.at[idxe_v], kidx_v, sem)
        d1.wait()
        d2.wait()
        pltpu.async_copy(x_hbm.at[kidx_v], rows_v, sem).wait()
        for nn in range(4):
            acc = [jnp.zeros((16,), jnp.float32) for _ in range(8)]
            for g in range(2):
                avec = aval_v[pl.ds((nn * 2 + g) * 16, 16)]
                for t in range(16):
                    s = nn * D + g * 16 + t
                    a = avec[t]
                    for j in range(8):
                        acc[j] = acc[j] + a * rows_v[s, pl.ds(j * 16, 16)]
            for j in range(8):
                acc_v[nn, pl.ds(j * 16, 16)] = acc[j]
        node_base = wid * NPT + c * 4
        pltpu.sync_copy(acc_v, agg_hbm.at[pl.ds(node_base, 4)])
        return carry

    lax.fori_loop(0, NCHUNK, chunk, 0)


def _aggregate(neigh_flat, alpha_ext, kext, x):
    return pl.kernel(
        _agg_body,
        out_type=jax.ShapeDtypeStruct((N_PAD, H), jnp.float32),
        mesh=_mesh,
        scratch_types=[
            pltpu.VMEM((C,), jnp.int32),
            pltpu.VMEM((C,), jnp.float32),
            pltpu.VMEM((C,), jnp.int32),
            pltpu.VMEM((C, H), jnp.float32),
            pltpu.VMEM((4, H), jnp.float32),
            pltpu.SemaphoreType.DMA,
        ],
    )(neigh_flat, alpha_ext, kext, x)


def _head_body(x_ref, agg_ref, w0_ref, w1_ref, fc1t_ref, fc1b_ref,
               fc2t_ref, fc2b_ref, out_ref):
    x2 = jnp.dot(x_ref[...], w0_ref[...], preferred_element_type=jnp.float32)
    x2 = x2 + jnp.dot(agg_ref[...], w1_ref[...], preferred_element_type=jnp.float32)
    h2 = jnp.dot(x2, fc1t_ref[...], preferred_element_type=jnp.float32)
    h2 = jnp.maximum(h2 + fc1b_ref[...], 0.0)
    o = jnp.dot(h2, fc2t_ref[...], preferred_element_type=jnp.float32)
    out_ref[...] = o + fc2b_ref[...]


def _head(x, agg, w0, w1, fc1t, fc1b, fc2t, fc2b):
    nblk = 1000
    grid = (N // nblk,)
    wspec = pl.BlockSpec((H, H), lambda i: (0, 0))
    bspec = pl.BlockSpec((1, H), lambda i: (0, 0))
    return pl.pallas_call(
        _head_body,
        grid=grid,
        in_specs=[
            pl.BlockSpec((nblk, H), lambda i: (i, 0)),
            pl.BlockSpec((nblk, H), lambda i: (i, 0)),
            wspec, wspec, wspec, bspec,
            pl.BlockSpec((H, OUT), lambda i: (0, 0)),
            pl.BlockSpec((1, OUT), lambda i: (0, 0)),
        ],
        out_specs=pl.BlockSpec((nblk, OUT), lambda i: (i, 0)),
        out_shape=jax.ShapeDtypeStruct((N, OUT), jnp.float32),
    )(x, agg, w0, w1, fc1t, fc1b, fc2t, fc2b)


def kernel(u, edge_index, neighbor_all, emb_id,
           att_fc1_w, att_fc1_b, att_fc2_w, att_fc2_b,
           w, fc1_w, fc1_b, fc2_w, fc2_b):
    x = emb_id
    k = edge_index[0]
    i = edge_index[1]

    t = jnp.concatenate([u, x], axis=1)
    kp = jnp.pad(k, (0, E_PAD - E))
    ip = jnp.pad(i, (0, E_PAD - E))
    h = _edge_h(t, kp, ip)

    logits = _edge_mlp(h, att_fc1_w.T, att_fc1_b.reshape(1, H),
                       att_fc2_w.T)
    alpha = _softmax(logits[: E // 128])

    alpha_ext = jnp.pad(alpha.reshape(-1), (0, EXT - E))
    kext = jnp.pad(k, (0, EXT - E))
    neigh = jnp.pad(neighbor_all, ((0, N_PAD - N), (0, 0)),
                    constant_values=E).reshape(-1)
    agg = _aggregate(neigh, alpha_ext, kext, x)

    return _head(x, agg[:N], w[0], w[1], fc1_w.T,
                 fc1_b.reshape(1, H), fc2_w.T, fc2_b.reshape(1, OUT))

# --- scband reference (transcript-rebuilt; emitter-appended) ---
"""Pipeline reference for scband-prob-gat-6786048328633 (READ-ONLY COPY).

The authoritative reference and input builder live on the scoring server;
editing this copy changes nothing except your own understanding.
"""

import jax, jax.numpy as jnp
import numpy as np

N = 10000      # id_size / n_nodes
H = 128        # hidden_dim
E = 320000     # n_edges
D = 32         # max neighbors per node (neighbor_all width)
OUT = 128      # hid_dim


def setup_inputs(seed: int = 0) -> dict:
    key = jax.random.key(seed)
    ks = jax.random.split(key, 16)
    u = jax.random.normal(ks[0], (N, H), dtype=jnp.float32)
    edge_index = jax.random.randint(ks[1], (2, E), 0, N, dtype=jnp.int32)
    # neighbor_all holds indices into neighbor_emb ([E+1] rows, row E is the zero pad)
    neighbor_all = jax.random.randint(ks[2], (N, D), 0, E + 1, dtype=jnp.int32)
    # learned parameters
    emb_id = jax.random.uniform(ks[3], (N, H), dtype=jnp.float32)  # torch.rand init
    s = 1.0 / np.sqrt(H)
    att_fc1_w = jax.random.uniform(ks[4], (H, H), minval=-s, maxval=s, dtype=jnp.float32)
    att_fc1_b = jax.random.uniform(ks[5], (H,), minval=-s, maxval=s, dtype=jnp.float32)
    att_fc2_w = jax.random.uniform(ks[6], (1, H), minval=-s, maxval=s, dtype=jnp.float32)
    att_fc2_b = jax.random.uniform(ks[7], (1,), minval=-s, maxval=s, dtype=jnp.float32)
    w = jax.random.normal(ks[8], (2, H, H), dtype=jnp.float32)
    fc1_w = jax.random.uniform(ks[9], (H, H), minval=-s, maxval=s, dtype=jnp.float32)
    fc1_b = jax.random.uniform(ks[10], (H,), minval=-s, maxval=s, dtype=jnp.float32)
    fc2_w = jax.random.uniform(ks[11], (OUT, H), minval=-s, maxval=s, dtype=jnp.float32)
    fc2_b = jax.random.uniform(ks[12], (OUT,), minval=-s, maxval=s, dtype=jnp.float32)
    return {
        "u": u, "edge_index": edge_index, "neighbor_all": neighbor_all,
        "emb_id": emb_id,
        "att_fc1_w": att_fc1_w, "att_fc1_b": att_fc1_b,
        "att_fc2_w": att_fc2_w, "att_fc2_b": att_fc2_b,
        "w": w,
        "fc1_w": fc1_w, "fc1_b": fc1_b,
        "fc2_w": fc2_w, "fc2_b": fc2_b,
    }


def reference(u, edge_index, neighbor_all, emb_id,
              att_fc1_w, att_fc1_b, att_fc2_w, att_fc2_b,
              w, fc1_w, fc1_b, fc2_w, fc2_b):
    x = emb_id
    k = edge_index[0]
    i = edge_index[1]
    # per-edge interaction features (two gathers on u, two on x)
    h = (jnp.take(u, k, axis=0) - jnp.take(u, i, axis=0)) * \
        (jnp.take(x, k, axis=0) - jnp.take(x, i, axis=0))
    h = jax.nn.relu(h @ att_fc1_w.T + att_fc1_b)
    logits = h @ att_fc2_w.T + att_fc2_b            # [E, 1]
    alpha = jax.nn.softmax(logits, axis=0)           # softmax over all edges
    zeros = jnp.zeros((1, x.shape[1]), dtype=x.dtype)
    neighbor_emb = jnp.concatenate([jnp.take(x, k, axis=0) * alpha, zeros], axis=0)  # [E+1, H]
    # gather each node's neighbor edge rows and sum them per node
    agg = jnp.sum(jnp.take(neighbor_emb, neighbor_all, axis=0), axis=1)              # [N, H]
    x2 = x @ w[0] + agg @ w[1]
    x2 = jax.nn.relu(x2 @ fc1_w.T + fc1_b)
    out = x2 @ fc2_w.T + fc2_b
    return out

if __name__ == "__main__":
    import jax
    _d = setup_inputs()
    print(jax.jit(kernel)(*tuple(_d.values())))

</pallas_src>

<mosaic_0001>
#map = affine_map<(d0, d1) -> (0, 0)>
#map1 = affine_map<(d0, d1) -> (0)>
module attributes {stable_mosaic.version = 14 : i64} {
  func.func @_edge_h_body(%arg0: i32, %arg1: i32, %arg2: memref<10000x256xf32, #tpu.memory_space<hbm>>, %arg3: memref<323584xi32, #tpu.memory_space<hbm>>, %arg4: memref<323584xi32, #tpu.memory_space<hbm>>, %arg5: memref<323584x128xf32, #tpu.memory_space<hbm>>, %arg6: memref<128xi32, #tpu.memory_space<vmem>>, %arg7: memref<128xi32, #tpu.memory_space<vmem>>, %arg8: memref<128x256xf32, #tpu.memory_space<vmem>>, %arg9: memref<128x256xf32, #tpu.memory_space<vmem>>, %arg10: memref<128x128xf32, #tpu.memory_space<vmem>>, %arg11: memref<!tpu.dma_semaphore, #tpu.memory_space<semaphore_mem>>) attributes {dimension_semantics = [#tpu.dimension_semantics<core_parallel>, #tpu.dimension_semantics<subcore_parallel>], iteration_bounds = array<i64: 2, 16>, scalar_prefetch = 0 : i64, scratch_operands = 6 : i64, tpu.core_type = #tpu.core_type<sc_vector_subcore>, window_params = [{transform_indices = #map}, {transform_indices = #map1}, {transform_indices = #map1}, {transform_indices = #map}]} {
    %mul3A = arith.constant 2 : i32
    %mul3A_0 = arith.muli %arg1, %mul3A : i32
    %add3A = arith.addi %mul3A_0, %arg0 : i32
    %scan3A = arith.constant 0 : i32
    %scan3A_1 = arith.constant 0 : i32
    %scan3A_2 = arith.constant 79 : i32
    %scan3A_3 = arith.addi %scan3A_1, %scan3A_2 : i32
    %scan3A_4 = arith.constant 1 : i32
    scf.for %scan3A_6 = %scan3A_1 to %scan3A_3 step %scan3A_4  : i32 {
      %mul3A_7 = arith.constant 10112 : i32
      %mul3A_8 = arith.muli %add3A, %mul3A_7 : i32
      %mul3A_9 = arith.constant 128 : i32
      %mul3A_10 = arith.muli %scan3A_6, %mul3A_9 : i32
      %add3A_11 = arith.addi %mul3A_8, %mul3A_10 : i32
      "tpu.region"() ({
        %run_scoped3A = tpu.sem_alloc : memref<!tpu.dma_semaphore, #tpu.memory_space<semaphore_mem>>
        %dma_start3A_28 = tpu.memref_slice %arg3[%add3A_11] : memref<323584xi32, #tpu.memory_space<hbm>> -> memref<128xi32, #tpu.memory_space<hbm>>
        %dma_start3A_29 = tpu.memref_slice %arg3[%add3A_11] : memref<323584xi32, #tpu.memory_space<hbm>> -> memref<128xi32, #tpu.memory_space<hbm>>
        tpu.enqueue_dma source(%dma_start3A_29 : memref<128xi32, #tpu.memory_space<hbm>>) target(%arg6 : memref<128xi32, #tpu.memory_space<vmem>>) target_semaphore(%run_scoped3A : memref<!tpu.dma_semaphore, #tpu.memory_space<semaphore_mem>>)
        %dma_wait3A_30 = tpu.memref_slice %arg3[%add3A_11] : memref<323584xi32, #tpu.memory_space<hbm>> -> memref<128xi32, #tpu.memory_space<hbm>>
        %dma_wait3A_31 = tpu.memref_slice %arg3[%add3A_11] : memref<323584xi32, #tpu.memory_space<hbm>> -> memref<128xi32, #tpu.memory_space<hbm>>
        tpu.wait_dma2 semaphore(%run_scoped3A : memref<!tpu.dma_semaphore, #tpu.memory_space<semaphore_mem>>) src(%dma_wait3A_31 : memref<128xi32, #tpu.memory_space<hbm>>) dst(%arg6 : memref<128xi32, #tpu.memory_space<vmem>>)
        tpu.yield
      }) : () -> ()
      "tpu.region"() ({
        %run_scoped3A = tpu.sem_alloc : memref<!tpu.dma_semaphore, #tpu.memory_space<semaphore_mem>>
        %dma_start3A_28 = tpu.memref_slice %arg4[%add3A_11] : memref<323584xi32, #tpu.memory_space<hbm>> -> memref<128xi32, #tpu.memory_space<hbm>>
        %dma_start3A_29 = tpu.memref_slice %arg4[%add3A_11] : memref<323584xi32, #tpu.memory_space<hbm>> -> memref<128xi32, #tpu.memory_space<hbm>>
        tpu.enqueue_dma source(%dma_start3A_29 : memref<128xi32, #tpu.memory_space<hbm>>) target(%arg7 : memref<128xi32, #tpu.memory_space<vmem>>) target_semaphore(%run_scoped3A : memref<!tpu.dma_semaphore, #tpu.memory_space<semaphore_mem>>)
        %dma_wait3A_30 = tpu.memref_slice %arg4[%add3A_11] : memref<323584xi32, #tpu.memory_space<hbm>> -> memref<128xi32, #tpu.memory_space<hbm>>
        %dma_wait3A_31 = tpu.memref_slice %arg4[%add3A_11] : memref<323584xi32, #tpu.memory_space<hbm>> -> memref<128xi32, #tpu.memory_space<hbm>>
        tpu.wait_dma2 semaphore(%run_scoped3A : memref<!tpu.dma_semaphore, #tpu.memory_space<semaphore_mem>>) src(%dma_wait3A_31 : memref<128xi32, #tpu.memory_space<hbm>>) dst(%arg7 : memref<128xi32, #tpu.memory_space<vmem>>)
        tpu.yield
      }) : () -> ()
      %dma_start3A = arith.constant 0 : i32
      %dma_start3A_12 = arith.constant 0 : i32
      %dma_start3A_13 = tpu.memref_slice %arg2[%dma_start3A, %dma_start3A_12] : memref<10000x256xf32, #tpu.memory_space<hbm>> -> memref<10000x256xf32, #tpu.memory_space<hbm>>
      tpu.enqueue_indirect_dma source(%dma_start3A_13 : memref<10000x256xf32, #tpu.memory_space<hbm>>) target(%arg8 : memref<128x256xf32, #tpu.memory_space<vmem>>) offsets(%arg6 : memref<128xi32, #tpu.memory_space<vmem>>) semaphore(%arg11 : memref<!tpu.dma_semaphore, #tpu.memory_space<semaphore_mem>>)
      %dma_start3A_14 = arith.constant 0 : i32
      %dma_start3A_15 = arith.constant 0 : i32
      %dma_start3A_16 = tpu.memref_slice %arg2[%dma_start3A_14, %dma_start3A_15] : memref<10000x256xf32, #tpu.memory_space<hbm>> -> memref<10000x256xf32, #tpu.memory_space<hbm>>
      tpu.enqueue_indirect_dma source(%dma_start3A_16 : memref<10000x256xf32, #tpu.memory_space<hbm>>) target(%arg9 : memref<128x256xf32, #tpu.memory_space<vmem>>) offsets(%arg7 : memref<128xi32, #tpu.memory_space<vmem>>) semaphore(%arg11 : memref<!tpu.dma_semaphore, #tpu.memory_space<semaphore_mem>>)
      %dma_wait3A = arith.constant 0 : i32
      %dma_wait3A_17 = arith.constant 0 : i32
      %dma_wait3A_18 = tpu.memref_slice %arg2[%dma_wait3A, %dma_wait3A_17] : memref<10000x256xf32, #tpu.memory_space<hbm>> -> memref<10000x256xf32, #tpu.memory_space<hbm>>
      tpu.wait_indirect_dma semaphore(%arg11 : memref<!tpu.dma_semaphore, #tpu.memory_space<semaphore_mem>>) src(%dma_wait3A_18 : memref<10000x256xf32, #tpu.memory_space<hbm>>) dst(%arg8 : memref<128x256xf32, #tpu.memory_space<vmem>>)
      %dma_wait3A_19 = arith.constant 0 : i32
      %dma_wait3A_20 = arith.constant 0 : i32
      %dma_wait3A_21 = tpu.memref_slice %arg2[%dma_wait3A_19, %dma_wait3A_20] : memref<10000x256xf32, #tpu.memory_space<hbm>> -> memref<10000x256xf32, #tpu.memory_space<hbm>>
      tpu.wait_indirect_dma semaphore(%arg11 : memref<!tpu.dma_semaphore, #tpu.memory_space<semaphore_mem>>) src(%dma_wait3A_21 : memref<10000x256xf32, #tpu.memory_space<hbm>>) dst(%arg9 : memref<128x256xf32, #tpu.memory_space<vmem>>)
      %scan3A_22 = arith.constant 0 : i32
      %scan3A_23 = arith.constant 0 : i32
      %scan3A_24 = arith.constant 128 : i32
      %scan3A_25 = arith.addi %scan3A_23, %scan3A_24 : i32
      %scan3A_26 = arith.constant 1 : i32
      scf.for %scan3A_28 = %scan3A_23 to %scan3A_25 step %scan3A_26  : i32 {
        %get3A = arith.index_cast %scan3A_28 : i32 to index
        %get3A_29 = arith.constant 0 : index
        %get3A_30 = tpu.vector_load %arg8[%get3A, %get3A_29] {strides = array<i32>} : memref<128x256xf32, #tpu.memory_space<vmem>>, vector<1x16xf32>,
        %get3A_31 = vector.shape_cast %get3A_30 : vector<1x16xf32> to vector<16xf32>
        %get3A_32 = arith.index_cast %scan3A_28 : i32 to index
        %get3A_33 = arith.constant 0 : index
        %get3A_34 = tpu.vector_load %arg9[%get3A_32, %get3A_33] {strides = array<i32>} : memref<128x256xf32, #tpu.memory_space<vmem>>, vector<1x16xf32>,
        %get3A_35 = vector.shape_cast %get3A_34 : vector<1x16xf32> to vector<16xf32>
        %sub3A = arith.subf %get3A_31, %get3A_35 : vector<16xf32>
        %get3A_36 = arith.index_cast %scan3A_28 : i32 to index
        %get3A_37 = arith.constant 128 : index
        %get3A_38 = tpu.vector_load %arg8[%get3A_36, %get3A_37] {strides = array<i32>} : memref<128x256xf32, #tpu.memory_space<vmem>>, vector<1x16xf32>,
        %get3A_39 = vector.shape_cast %get3A_38 : vector<1x16xf32> to vector<16xf32>
        %get3A_40 = arith.index_cast %scan3A_28 : i32 to index
        %get3A_41 = arith.constant 128 : index
        %get3A_42 = tpu.vector_load %arg9[%get3A_40, %get3A_41] {strides = array<i32>} : memref<128x256xf32, #tpu.memory_space<vmem>>, vector<1x16xf32>,
        %get3A_43 = vector.shape_cast %get3A_42 : vector<1x16xf32> to vector<16xf32>
        %sub3A_44 = arith.subf %get3A_39, %get3A_43 : vector<16xf32>
        %mul3A_45 = arith.mulf %sub3A, %sub3A_44 : vector<16xf32>
        %swap3A = arith.index_cast %scan3A_28 : i32 to index
        %swap3A_46 = arith.constant 0 : index
        %swap3A_47 = tpu.vector_load %arg10[%swap3A, %swap3A_46] {strides = array<i32>} : memref<128x128xf32, #tpu.memory_space<vmem>>, vector<1x16xf32>,
        %swap3A_48 = vector.shape_cast %swap3A_47 : vector<1x16xf32> to vector<16xf32>
        %swap3A_49 = vector.shape_cast %mul3A_45 : vector<16xf32> to vector<1x16xf32>
        tpu.vector_store %arg10[%swap3A, %swap3A_46], %swap3A_49 {strides = array<i32>} : memref<128x128xf32, #tpu.memory_space<vmem>>, vector<1x16xf32>,
        %get3A_50 = arith.index_cast %scan3A_28 : i32 to index
        %get3A_51 = arith.constant 16 : index
        %get3A_52 = tpu.vector_load %arg8[%get3A_50, %get3A_51] {strides = array<i32>} : memref<128x256xf32, #tpu.memory_space<vmem>>, vector<1x16xf32>,
        %get3A_53 = vector.shape_cast %get3A_52 : vector<1x16xf32> to vector<16xf32>
        %get3A_54 = arith.index_cast %scan3A_28 : i32 to index
        %get3A_55 = arith.constant 16 : index
        %get3A_56 = tpu.vector_load %arg9[%get3A_54, %get3A_55] {strides = array<i32>} : memref<128x256xf32, #tpu.memory_space<vmem>>, vector<1x16xf32>,
        %get3A_57 = vector.shape_cast %get3A_56 : vector<1x16xf32> to vector<16xf32>
        %sub3A_58 = arith.subf %get3A_53, %get3A_57 : vector<16xf32>
        %get3A_59 = arith.index_cast %scan3A_28 : i32 to index
        %get3A_60 = arith.constant 144 : index
        %get3A_61 = tpu.vector_load %arg8[%get3A_59, %get3A_60] {strides = array<i32>} : memref<128x256xf32, #tpu.memory_space<vmem>>, vector<1x16xf32>,
        %get3A_62 = vector.shape_cast %get3A_61 : vector<1x16xf32> to vector<16xf32>
        %get3A_63 = arith.index_cast %scan3A_28 : i32 to index
        %get3A_64 = arith.constant 144 : index
        %get3A_65 = tpu.vector_load %arg9[%get3A_63, %get3A_64] {strides = array<i32>} : memref<128x256xf32, #tpu.memory_space<vmem>>, vector<1x16xf32>,
        %get3A_66 = vector.shape_cast %get3A_65 : vector<1x16xf32> to vector<16xf32>
        %sub3A_67 = arith.subf %get3A_62, %get3A_66 : vector<16xf32>
        %mul3A_68 = arith.mulf %sub3A_58, %sub3A_67 : vector<16xf32>
        %swap3A_69 = arith.index_cast %scan3A_28 : i32 to index
        %swap3A_70 = arith.constant 16 : index
        %swap3A_71 = tpu.vector_load %arg10[%swap3A_69, %swap3A_70] {strides = array<i32>} : memref<128x128xf32, #tpu.memory_space<vmem>>, vector<1x16xf32>,
        %swap3A_72 = vector.shape_cast %swap3A_71 : vector<1x16xf32> to vector<16xf32>
        %swap3A_73 = vector.shape_cast %mul3A_68 : vector<16xf32> to vector<1x16xf32>
        tpu.vector_store %arg10[%swap3A_69, %swap3A_70], %swap3A_73 {strides = array<i32>} : memref<128x128xf32, #tpu.memory_space<vmem>>, vector<1x16xf32>,
        %get3A_74 = arith.index_cast %scan3A_28 : i32 to index
        %get3A_75 = arith.constant 32 : index
        %get3A_76 = tpu.vector_load %arg8[%get3A_74, %get3A_75] {strides = array<i32>} : memref<128x256xf32, #tpu.memory_space<vmem>>, vector<1x16xf32>,
        %get3A_77 = vector.shape_cast %get3A_76 : vector<1x16xf32> to vector<16xf32>
        %get3A_78 = arith.index_cast %scan3A_28 : i32 to index
        %get3A_79 = arith.constant 32 : index
        %get3A_80 = tpu.vector_load %arg9[%get3A_78, %get3A_79] {strides = array<i32>} : memref<128x256xf32, #tpu.memory_space<vmem>>, vector<1x16xf32>,
        %get3A_81 = vector.shape_cast %get3A_80 : vector<1x16xf32> to vector<16xf32>
        %sub3A_82 = arith.subf %get3A_77, %get3A_81 : vector<16xf32>
        %get3A_83 = arith.index_cast %scan3A_28 : i32 to index
        %get3A_84 = arith.constant 160 : index
        %get3A_85 = tpu.vector_load %arg8[%get3A_83, %get3A_84] {strides = array<i32>} : memref<128x256xf32, #tpu.memory_space<vmem>>, vector<1x16xf32>,
        %get3A_86 = vector.shape_cast %get3A_85 : vector<1x16xf32> to vector<16xf32>
        %get3A_87 = arith.index_cast %scan3A_28 : i32 to index
        %get3A_88 = arith.constant 160 : index
        %get3A_89 = tpu.vector_load %arg9[%get3A_87, %get3A_88] {strides = array<i32>} : memref<128x256xf32, #tpu.memory_space<vmem>>, vector<1x16xf32>,
        %get3A_90 = vector.shape_cast %get3A_89 : vector<1x16xf32> to vector<16xf32>
        %sub3A_91 = arith.subf %get3A_86, %get3A_90 : vector<16xf32>
        %mul3A_92 = arith.mulf %sub3A_82, %sub3A_91 : vector<16xf32>
        %swap3A_93 = arith.index_cast %scan3A_28 : i32 to index
        %swap3A_94 = arith.constant 32 : index
        %swap3A_95 = tpu.vector_load %arg10[%swap3A_93, %swap3A_94] {strides = array<i32>} : memref<128x128xf32, #tpu.memory_space<vmem>>, vector<1x16xf32>,
        %swap3A_96 = vector.shape_cast %swap3A_95 : vector<1x16xf32> to vector<16xf32>
        %swap3A_97 = vector.shape_cast %mul3A_92 : vector<16xf32> to vector<1x16xf32>
        tpu.vector_store %arg10[%swap3A_93, %swap3A_94], %swap3A_97 {strides = array<i32>} : memref<128x128xf32, #tpu.memory_space<vmem>>, vector<1x16xf32>,
        %get3A_98 = arith.index_cast %scan3A_28 : i32 to index
        %get3A_99 = arith.constant 48 : index
        %get3A_100 = tpu.vector_load %arg8[%get3A_98, %get3A_99] {strides = array<i32>} : memref<128x256xf32, #tpu.memory_space<vmem>>, vector<1x16xf32>,
        %get3A_101 = vector.shape_cast %get3A_100 : vector<1x16xf32> to vector<16xf32>
        %get3A_102 = arith.index_cast %scan3A_28 : i32 to index
        %get3A_103 = arith.constant 48 : index
        %get3A_104 = tpu.vector_load %arg9[%get3A_102, %get3A_103] {strides = array<i32>} : memref<128x256xf32, #tpu.memory_space<vmem>>, vector<1x16xf32>,
        %get3A_105 = vector.shape_cast %get3A_104 : vector<1x16xf32> to vector<16xf32>
        %sub3A_106 = arith.subf %get3A_101, %get3A_105 : vector<16xf32>
        %get3A_107 = arith.index_cast %scan3A_28 : i32 to index
        %get3A_108 = arith.constant 176 : index
        %get3A_109 = tpu.vector_load %arg8[%get3A_107, %get3A_108] {strides = array<i32>} : memref<128x256xf32, #tpu.memory_space<vmem>>, vector<1x16xf32>,
        %get3A_110 = vector.shape_cast %get3A_109 : vector<1x16xf32> to vector<16xf32>
        %get3A_111 = arith.index_cast %scan3A_28 : i32 to index
        %get3A_112 = arith.constant 176 : index
        %get3A_113 = tpu.vector_load %arg9[%get3A_111, %get3A_112] {strides = array<i32>} : memref<128x256xf32, #tpu.memory_space<vmem>>, vector<1x16xf32>,
        %get3A_114 = vector.shape_cast %get3A_113 : vector<1x16xf32> to vector<16xf32>
        %sub3A_115 = arith.subf %get3A_110, %get3A_114 : vector<16xf32>
        %mul3A_116 = arith.mulf %sub3A_106, %sub3A_115 : vector<16xf32>
        %swap3A_117 = arith.index_cast %scan3A_28 : i32 to index
        %swap3A_118 = arith.constant 48 : index
        %swap3A_119 = tpu.vector_load %arg10[%swap3A_117, %swap3A_118] {strides = array<i32>} : memref<128x128xf32, #tpu.memory_space<vmem>>, vector<1x16xf32>,
        %swap3A_120 = vector.shape_cast %swap3A_119 : vector<1x16xf32> to vector<16xf32>
        %swap3A_121 = vector.shape_cast %mul3A_116 : vector<16xf32> to vector<1x16xf32>
        tpu.vector_store %arg10[%swap3A_117, %swap3A_118], %swap3A_121 {strides = array<i32>} : memref<128x128xf32, #tpu.memory_space<vmem>>, vector<1x16xf32>,
        %get3A_122 = arith.index_cast %scan3A_28 : i32 to index
        %get3A_123 = arith.constant 64 : index
        %get3A_124 = tpu.vector_load %arg8[%get3A_122, %get3A_123] {strides = array<i32>} : memref<128x256xf32, #tpu.memory_space<vmem>>, vector<1x16xf32>,
        %get3A_125 = vector.shape_cast %get3A_124 : vector<1x16xf32> to vector<16xf32>
        %get3A_126 = arith.index_cast %scan3A_28 : i32 to index
        %get3A_127 = arith.constant 64 : index
        %get3A_128 = tpu.vector_load %arg9[%get3A_126, %get3A_127] {strides = array<i32>} : memref<128x256xf32, #tpu.memory_space<vmem>>, vector<1x16xf32>,
        %get3A_129 = vector.shape_cast %get3A_128 : vector<1x16xf32> to vector<16xf32>
        %sub3A_130 = arith.subf %get3A_125, %get3A_129 : vector<16xf32>
        %get3A_131 = arith.index_cast %scan3A_28 : i32 to index
        %get3A_132 = arith.constant 192 : index
        %get3A_133 = tpu.vector_load %arg8[%get3A_131, %get3A_132] {strides = array<i32>} : memref<128x256xf32, #tpu.memory_space<vmem>>, vector<1x16xf32>,
        %get3A_134 = vector.shape_cast %get3A_133 : vector<1x16xf32> to vector<16xf32>
        %get3A_135 = arith.index_cast %scan3A_28 : i32 to index
        %get3A_136 = arith.constant 192 : index
        %get3A_137 = tpu.vector_load %arg9[%get3A_135, %get3A_136] {strides = array<i32>} : memref<128x256xf32, #tpu.memory_space<vmem>>, vector<1x16xf32>,
        %get3A_138 = vector.shape_cast %get3A_137 : vector<1x16xf32> to vector<16xf32>
        %sub3A_139 = arith.subf %get3A_134, %get3A_138 : vector<16xf32>
        %mul3A_140 = arith.mulf %sub3A_130, %sub3A_139 : vector<16xf32>
        %swap3A_141 = arith.index_cast %scan3A_28 : i32 to index
        %swap3A_142 = arith.constant 64 : index
        %swap3A_143 = tpu.vector_load %arg10[%swap3A_141, %swap3A_142] {strides = array<i32>} : memref<128x128xf32, #tpu.memory_space<vmem>>, vector<1x16xf32>,
        %swap3A_144 = vector.shape_cast %swap3A_143 : vector<1x16xf32> to vector<16xf32>
        %swap3A_145 = vector.shape_cast %mul3A_140 : vector<16xf32> to vector<1x16xf32>
        tpu.vector_store %arg10[%swap3A_141, %swap3A_142], %swap3A_145 {strides = array<i32>} : memref<128x128xf32, #tpu.memory_space<vmem>>, vector<1x16xf32>,
        %get3A_146 = arith.index_cast %scan3A_28 : i32 to index
        %get3A_147 = arith.constant 80 : index
        %get3A_148 = tpu.vector_load %arg8[%get3A_146, %get3A_147] {strides = array<i32>} : memref<128x256xf32, #tpu.memory_space<vmem>>, vector<1x16xf32>,
        %get3A_149 = vector.shape_cast %get3A_148 : vector<1x16xf32> to vector<16xf32>
        %get3A_150 = arith.index_cast %scan3A_28 : i32 to index
        %get3A_151 = arith.constant 80 : index
        %get3A_152 = tpu.vector_load %arg9[%get3A_150, %get3A_151] {strides = array<i32>} : memref<128x256xf32, #tpu.memory_space<vmem>>, vector<1x16xf32>,
        %get3A_153 = vector.shape_cast %get3A_152 : vector<1x16xf32> to vector<16xf32>
        %sub3A_154 = arith.subf %get3A_149, %get3A_153 : vector<16xf32>
        %get3A_155 = arith.index_cast %scan3A_28 : i32 to index
        %get3A_156 = arith.constant 208 : index
        %get3A_157 = tpu.vector_load %arg8[%get3A_155, %get3A_156] {strides = array<i32>} : memref<128x256xf32, #tpu.memory_space<vmem>>, vector<1x16xf32>,
        %get3A_158 = vector.shape_cast %get3A_157 : vector<1x16xf32> to vector<16xf32>
        %get3A_159 = arith.index_cast %scan3A_28 : i32 to index
        %get3A_160 = arith.constant 208 : index
        %get3A_161 = tpu.vector_load %arg9[%get3A_159, %get3A_160] {strides = array<i32>} : memref<128x256xf32, #tpu.memory_space<vmem>>, vector<1x16xf32>,
        %get3A_162 = vector.shape_cast %get3A_161 : vector<1x16xf32> to vector<16xf32>
        %sub3A_163 = arith.subf %get3A_158, %get3A_162 : vector<16xf32>
        %mul3A_164 = arith.mulf %sub3A_154, %sub3A_163 : vector<16xf32>
        %swap3A_165 = arith.index_cast %scan3A_28 : i32 to index
        %swap3A_166 = arith.constant 80 : index
        %swap3A_167 = tpu.vector_load %arg10[%swap3A_165, %swap3A_166] {strides = array<i32>} : memref<128x128xf32, #tpu.memory_space<vmem>>, vector<1x16xf32>,
        %swap3A_168 = vector.shape_cast %swap3A_167 : vector<1x16xf32> to vector<16xf32>
        %swap3A_169 = vector.shape_cast %mul3A_164 : vector<16xf32> to vector<1x16xf32>
        tpu.vector_store %arg10[%swap3A_165, %swap3A_166], %swap3A_169 {strides = array<i32>} : memref<128x128xf32, #tpu.memory_space<vmem>>, vector<1x16xf32>,
        %get3A_170 = arith.index_cast %scan3A_28 : i32 to index
        %get3A_171 = arith.constant 96 : index
        %get3A_172 = tpu.vector_load %arg8[%get3A_170, %get3A_171] {strides = array<i32>} : memref<128x256xf32, #tpu.memory_space<vmem>>, vector<1x16xf32>,
        %get3A_173 = vector.shape_cast %get3A_172 : vector<1x16xf32> to vector<16xf32>
        %get3A_174 = arith.index_cast %scan3A_28 : i32 to index
        %get3A_175 = arith.constant 96 : index
        %get3A_176 = tpu.vector_load %arg9[%get3A_174, %get3A_175] {strides = array<i32>} : memref<128x256xf32, #tpu.memory_space<vmem>>, vector<1x16xf32>,
        %get3A_177 = vector.shape_cast %get3A_176 : vector<1x16xf32> to vector<16xf32>
        %sub3A_178 = arith.subf %get3A_173, %get3A_177 : vector<16xf32>
        %get3A_179 = arith.index_cast %scan3A_28 : i32 to index
        %get3A_180 = arith.constant 224 : index
        %get3A_181 = tpu.vector_load %arg8[%get3A_179, %get3A_180] {strides = array<i32>} : memref<128x256xf32, #tpu.memory_space<vmem>>, vector<1x16xf32>,
        %get3A_182 = vector.shape_cast %get3A_181 : vector<1x16xf32> to vector<16xf32>
        %get3A_183 = arith.index_cast %scan3A_28 : i32 to index
        %get3A_184 = arith.constant 224 : index
        %get3A_185 = tpu.vector_load %arg9[%get3A_183, %get3A_184] {strides = array<i32>} : memref<128x256xf32, #tpu.memory_space<vmem>>, vector<1x16xf32>,
        %get3A_186 = vector.shape_cast %get3A_185 : vector<1x16xf32> to vector<16xf32>
        %sub3A_187 = arith.subf %get3A_182, %get3A_186 : vector<16xf32>
        %mul3A_188 = arith.mulf %sub3A_178, %sub3A_187 : vector<16xf32>
        %swap3A_189 = arith.index_cast %scan3A_28 : i32 to index
        %swap3A_190 = arith.constant 96 : index
        %swap3A_191 = tpu.vector_load %arg10[%swap3A_189, %swap3A_190] {strides = array<i32>} : memref<128x128xf32, #tpu.memory_space<vmem>>, vector<1x16xf32>,
        %swap3A_192 = vector.shape_cast %swap3A_191 : vector<1x16xf32> to vector<16xf32>
        %swap3A_193 = vector.shape_cast %mul3A_188 : vector<16xf32> to vector<1x16xf32>
        tpu.vector_store %arg10[%swap3A_189, %swap3A_190], %swap3A_193 {strides = array<i32>} : memref<128x128xf32, #tpu.memory_space<vmem>>, vector<1x16xf32>,
        %get3A_194 = arith.index_cast %scan3A_28 : i32 to index
        %get3A_195 = arith.constant 112 : index
        %get3A_196 = tpu.vector_load %arg8[%get3A_194, %get3A_195] {strides = array<i32>} : memref<128x256xf32, #tpu.memory_space<vmem>>, vector<1x16xf32>,
        %get3A_197 = vector.shape_cast %get3A_196 : vector<1x16xf32> to vector<16xf32>
        %get3A_198 = arith.index_cast %scan3A_28 : i32 to index
        %get3A_199 = arith.constant 112 : index
        %get3A_200 = tpu.vector_load %arg9[%get3A_198, %get3A_199] {strides = array<i32>} : memref<128x256xf32, #tpu.memory_space<vmem>>, vector<1x16xf32>,
        %get3A_201 = vector.shape_cast %get3A_200 : vector<1x16xf32> to vector<16xf32>
        %sub3A_202 = arith.subf %get3A_197, %get3A_201 : vector<16xf32>
        %get3A_203 = arith.index_cast %scan3A_28 : i32 to index
        %get3A_204 = arith.constant 240 : index
        %get3A_205 = tpu.vector_load %arg8[%get3A_203, %get3A_204] {strides = array<i32>} : memref<128x256xf32, #tpu.memory_space<vmem>>, vector<1x16xf32>,
        %get3A_206 = vector.shape_cast %get3A_205 : vector<1x16xf32> to vector<16xf32>
        %get3A_207 = arith.index_cast %scan3A_28 : i32 to index
        %get3A_208 = arith.constant 240 : index
        %get3A_209 = tpu.vector_load %arg9[%get3A_207, %get3A_208] {strides = array<i32>} : memref<128x256xf32, #tpu.memory_space<vmem>>, vector<1x16xf32>,
        %get3A_210 = vector.shape_cast %get3A_209 : vector<1x16xf32> to vector<16xf32>
        %sub3A_211 = arith.subf %get3A_206, %get3A_210 : vector<16xf32>
        %mul3A_212 = arith.mulf %sub3A_202, %sub3A_211 : vector<16xf32>
        %swap3A_213 = arith.index_cast %scan3A_28 : i32 to index
        %swap3A_214 = arith.constant 112 : index
        %swap3A_215 = tpu.vector_load %arg10[%swap3A_213, %swap3A_214] {strides = array<i32>} : memref<128x128xf32, #tpu.memory_space<vmem>>, vector<1x16xf32>,
        %swap3A_216 = vector.shape_cast %swap3A_215 : vector<1x16xf32> to vector<16xf32>
        %swap3A_217 = vector.shape_cast %mul3A_212 : vector<16xf32> to vector<1x16xf32>
        tpu.vector_store %arg10[%swap3A_213, %swap3A_214], %swap3A_217 {strides = array<i32>} : memref<128x128xf32, #tpu.memory_space<vmem>>, vector<1x16xf32>,
      }
      %scan3A_27 = arith.constant 128 : i32
      "tpu.region"() ({
        %run_scoped3A = tpu.sem_alloc : memref<!tpu.dma_semaphore, #tpu.memory_space<semaphore_mem>>
        %dma_start3A_28 = arith.constant 0 : i32
        %dma_start3A_29 = tpu.memref_slice %arg5[%add3A_11, %dma_start3A_28] : memref<323584x128xf32, #tpu.memory_space<hbm>> -> memref<128x128xf32, #tpu.memory_space<hbm>>
        %dma_start3A_30 = arith.constant 0 : i32
        %dma_start3A_31 = tpu.memref_slice %arg5[%add3A_11, %dma_start3A_30] : memref<323584x128xf32, #tpu.memory_space<hbm>> -> memref<128x128xf32, #tpu.memory_space<hbm>>
        tpu.enqueue_dma source(%arg10 : memref<128x128xf32, #tpu.memory_space<vmem>>) target(%dma_start3A_31 : memref<128x128xf32, #tpu.memory_space<hbm>>) target_semaphore(%run_scoped3A : memref<!tpu.dma_semaphore, #tpu.memory_space<semaphore_mem>>)
        %dma_wait3A_32 = arith.constant 0 : i32
        %dma_wait3A_33 = tpu.memref_slice %arg5[%add3A_11, %dma_wait3A_32] : memref<323584x128xf32, #tpu.memory_space<hbm>> -> memref<128x128xf32, #tpu.memory_space<hbm>>
        %dma_wait3A_34 = arith.constant 0 : i32
        %dma_wait3A_35 = tpu.memref_slice %arg5[%add3A_11, %dma_wait3A_34] : memref<323584x128xf32, #tpu.memory_space<hbm>> -> memref<128x128xf32, #tpu.memory_space<hbm>>
        tpu.wait_dma2 semaphore(%run_scoped3A : memref<!tpu.dma_semaphore, #tpu.memory_space<semaphore_mem>>) src(%arg10 : memref<128x128xf32, #tpu.memory_space<vmem>>) dst(%dma_wait3A_35 : memref<128x128xf32, #tpu.memory_space<hbm>>)
        tpu.yield
      }) : () -> ()
    }
    %scan3A_5 = arith.constant 79 : i32
    return
  }
}

</mosaic_0001>

<sc_bundles>
// kernel: _edge_h.3.cloned.1.call-start
scs
__scs_entry_jumppad:
0x0: {  	(pc) =	sbr.rel $0x88, $3  }
0x1: {  	(tag) =	ssettag $0x0;
	lr =	simm.s32 $0x1  }
0x2: {  	[smem:$0x3F9E] =	sst lr;
	_ =	strace $0xD0000000  }
0x3: {  	_ = 	snop  }
0x4: {  	_ = 	snop  }
0x5: {  	_ = 	snop  }
0x6: {  	_ = 	snop  }
0x7: {  	_ = 	snop  }
__scs_overlays_trampoline_lowered:
0x8: {  	[smem:$0x3FAD] =	sst s0  }
0x9: {  	[smem:$0x3FAE] =	sst s1  }
0xa: {  	[smem:$0x3FAF] =	sst s2  }
0xb: {  	[smem:$0x3FB0] =	sst s3  }
0xc: {  	[smem:$0x3FB1] =	sst s4  }
0xd: {  	[smem:$0x3FB2] =	sst s5  }
0xe: {  	[smem:$0x3FB3] =	sst s6  }
0xf: {  	[smem:$0x3FB4] =	sst s7  }
0x10: {  	[smem:$0x3FB5] =	sst s8  }
0x11: {  	[smem:$0x3FB6] =	sst s9;
	s0 =	simm.s32 @!p0 $0x0  }
0x12: {  	s1 =	sld [smem:$0x3F9C];
	s0 =	simm.s32 @p0 $0x1  }
0x13: {  	[smem:$0x3FB7] =	sst s0;
	s0 =	simm.s32 @!p1 $0x0  }
0x14: {  	s2 =	sld [smem:$0x3F9B];
	s0 =	simm.s32 @p1 $0x1  }
0x15: {  	[smem:$0x3FB8] =	sst s0;
	s0 =	simm.s32 @!p2 $0x0  }
0x16: {  	s3 =	sld [smem:$0x3FDB];
	s0 =	simm.s32 @p2 $0x1  }
0x17: {  	s4 =	simm.s32 $0x1BF5;
	[smem:$0x3FBA] =	sst s0  }
0x18: {  	s0 =	sld [smem:$0x3F9D];
	_ =	swait.ge [sflag:s4], $0x0  }
0x19: {  	s7 =	sld [smem:$0x3F9E]  }
0x1a: {  	s8 =	sadd.s32 $0xFFFFE003, lr  }
0x1b: {  	s9 =	sadd.s32 $0xFFFFFEF7, lr;
	s5 =	simm.s32 $0xFFFFFFFF;
	p2 =	slt.u32 s8, $0xFFFFF086  }
0x1c: {  	p1 =	slt.u32 s9, $0xF7A;
	s5 =	simm.s32 @!p2 $0x0  }
0x1d: {  	s5 =	simm.s32 @p1 $0x1;
	p0 =	seq.s32 s7, s2  }
0x1e: {  	s7 =	smul.u32 @!p0 $0xF7A, s2;
	p2 =	seq.s32 @!p0 s5, $0x0  }
0x1f: {  	s9 =	smul.u32 $0xF7A, s1;
	s8 =	simm.s32 @!p0 $0x1BF5;
	p2 =	por !p2, p0  }
0x20: {  	[sflag:s8] =	ssyncset.s32 @!p0 $0xFFFFF086;
	s6 =	sadd.s32 @!p0 s3, s7;
	s7 =	simm.s32 @!p0 $0x108  }
0x21: {  	s3 =	sadd.s32 s3, s9;
	s6 =	sadd.s32 @!p0 $0x88, s6;
	s7 =	simm.s32 @p2 $0x1082  }
0x22: {  	[simem:s7], [sflag:s8] =	dma.local @!p0 [hbm:s6], $0xF7A  }
0x23: {  	s9 =	sor.u32 $0xD0000000, s2;
	s6 =	simm.s32 $0x108;
	_ =	swait.ge @!p0 [sflag:s8], $0x0  }
0x24: {  	s3 =	sadd.s32 $0x88, s3;
	s6 =	simm.s32 @!p1 $0x1082;
	[sflag:s4] =	ssyncset.s32 $0xFFFFF086  }
0x25: {  	[simem:s6], [sflag:s4] =	dma.local [hbm:s3], $0xF7A  }
0x26: {  	[smem:$0x3F9E] =	sst s1;
	(tag) =	ssettag s2;
	_ =	strace s9  }
0x27: {  	s1 =	sld [smem:$0x3FAE]  }
0x28: {  	s2 =	sld [smem:$0x3FAF]  }
0x29: {  	s4 =	sld [smem:$0x3FB1]  }
0x2a: {  	p0 =	seq.s32 s5, $0x0;
	s5 =	sld [smem:$0x3FB2]  }
0x2b: {  	s6 =	sld [smem:$0x3FB3]  }
0x2c: {  	s7 =	sld [smem:$0x3FB4]  }
0x2d: {  	s3 =	simm.s32 $0x108;
	s8 =	sld [smem:$0x3FB5]  }
0x2e: {  	s3 =	simm.s32 @!p0 $0x1082;
	s9 =	sld [smem:$0x3FB6]  }
0x2f: {  	lr =	sadd.s32 s0, s3;
	s0 =	sld [smem:$0x3FAD]  }
0x30: {  	s3 =	sld [smem:$0x3FB0]  }
0x31: {  	[smem:$0x3FB9] =	sst s10  }
0x32: {  	s10 =	sld [smem:$0x3FB7];
	_ =	sdelay $0x3  }
0x33: {  	p0 =	seq.s32 s10, $0x1;
	s10 =	sld [smem:$0x3FB9];
	_ =	sdelay $0x3  }
0x34: {  	[smem:$0x3FB9] =	sst s10  }
0x35: {  	s10 =	sld [smem:$0x3FB8];
	_ =	sdelay $0x3  }
0x36: {  	p1 =	seq.s32 s10, $0x1;
	s10 =	sld [smem:$0x3FB9];
	_ =	sdelay $0x3  }
0x37: {  	[smem:$0x3FB9] =	sst s10  }
0x38: {  	s10 =	sld [smem:$0x3FBA]  }
0x39: {  	_ = 	snop;
	(pc) =	sbr.ind lr, $3  }
0x3a: {  	_ = 	snop  }
0x3b: {  	_ = 	snop  }
0x3c: {  	p2 =	seq.s32 s10, $0x1;
	s10 =	sld [smem:$0x3FB9]  }
0x3d: {  	_ =	shalt  }
0x3e: {  	_ =	shalt  }
0x3f: {  	_ =	shalt  }
0x40: {  	_ =	shalt  }
0x41: {  	_ =	shalt  }
0x42: {  	_ =	shalt  }
0x43: {  	_ =	shalt  }
0x44: {  	_ =	shalt  }
0x45: {  	_ =	shalt  }
0x46: {  	_ =	shalt  }
0x47: {  	_ =	shalt  }
0x48: {  	_ =	shalt  }
0x49: {  	_ =	shalt  }
0x4a: {  	_ =	shalt  }
0x4b: {  	_ =	shalt  }
0x4c: {  	_ =	shalt  }
0x4d: {  	_ =	shalt  }
0x4e: {  	_ =	shalt  }
0x4f: {  	_ =	shalt  }
0x50: {  	_ =	shalt  }
0x51: {  	_ =	shalt  }
0x52: {  	_ =	shalt  }
0x53: {  	_ =	shalt  }
0x54: {  	_ =	shalt  }
0x55: {  	_ =	shalt  }
0x56: {  	_ =	shalt  }
0x57: {  	_ =	shalt  }
0x58: {  	_ =	shalt  }
0x59: {  	_ =	shalt  }
0x5a: {  	_ =	shalt  }
0x5b: {  	_ =	shalt  }
0x5c: {  	_ =	shalt  }
0x5d: {  	_ =	shalt  }
0x5e: {  	_ =	shalt  }
0x5f: {  	_ =	shalt  }
0x60: {  	_ =	shalt  }
0x61: {  	_ =	shalt  }
0x62: {  	_ =	shalt  }
0x63: {  	_ =	shalt  }
0x64: {  	_ =	shalt  }
0x65: {  	_ =	shalt  }
0x66: {  	_ =	shalt  }
0x67: {  	_ =	shalt  }
0x68: {  	_ =	shalt  }
0x69: {  	_ =	shalt  }
0x6a: {  	_ =	shalt  }
0x6b: {  	_ =	shalt  }
0x6c: {  	_ =	shalt  }
0x6d: {  	_ =	shalt  }
0x6e: {  	_ =	shalt  }
0x6f: {  	_ =	shalt  }
0x70: {  	_ =	shalt  }
0x71: {  	_ =	shalt  }
0x72: {  	_ =	shalt  }
0x73: {  	_ =	shalt  }
0x74: {  	_ =	shalt  }
0x75: {  	_ =	shalt  }
0x76: {  	_ =	shalt  }
0x77: {  	_ =	shalt  }
0x78: {  	_ =	shalt  }
0x79: {  	_ =	shalt  }
0x7a: {  	_ =	shalt  }
0x7b: {  	_ =	shalt  }
0x7c: {  	_ =	shalt  }
0x7d: {  	_ =	shalt  }
0x7e: {  	_ =	shalt  }
0x7f: {  	_ =	shalt  }
0x80: {  	_ =	shalt  }
0x81: {  	_ =	shalt  }
0x82: {  	_ =	shalt  }
0x83: {  	_ =	shalt  }
0x84: {  	_ =	shalt  }
0x85: {  	_ =	shalt  }
0x86: {  	_ =	shalt  }
0x87: {  	_ =	shalt  }
.Lfunc_end0:
.L_simem_size_0:
called_computation_lowered:
.L_overlay_start_0:
0x88: {  	s2 =	sld [smem:$0x3FD9]  }
0x89: {  	s3 =	sld [smem:$0x3FFE];
	_ =	sdelay $0x1  }
0x8a: {  	s1 =	srdreg.scid  }
0x8b: {  	s0 =	sand.u32 $0x1, s1  }
0x8c: {  	s18 =	sshll.u32 s0, $0xA;
	s2 =	sadd.s32 s3, s2  }
0x8d: {  	s2 =	sadd.s32 s2, s18  }
0x8e: {  	[smem:$0x3FC5] =	sst s2  }
0x8f: {  	_ = 	snop  }
0x90: {  	s2 =	sld [smem:$0x3FC9]  }
0x91: {  	s19 =	sld [smem:$0x3FC8]  }
0x92: {  	s4 =	sld [smem:$0x3FC7]  }
0x93: {  	s5 =	sld [smem:$0x3FD0];
	(tm) =	ssettm $0x1  }
0x94: {  	s6 =	sld [smem:$0x3FFB];
	_ =	sdelay $0x3  }
0x95: {  	_ =	strace s6  }
0x96: {  	s6 =	sld [smem:$0x3FFC];
	_ =	sdelay $0x3  }
0x97: {  	_ =	strace s6  }
0x98: {  	s6 =	sld [smem:$0x3FFD];
	_ =	sdelay $0x3  }
0x99: {  	_ =	strace s6  }
0x9a: {  	_ =	strace $0x8FFFFFFF  }
0x9b: {  	s20 =	sld [smem:$0x3FDB];
	_ =	sdelay $0x1  }
0x9c: {  	s7 =	simm.s32 $_scs_section_size  }
0x9d: {  	s8 =	simm.s32 $_size__tile_overlayer_lowered;
	s9 =	simm.s32 $_tile_overlayer_lowered  }
0x9e: {  	s23 =	simm.s32 $0x1BFF;
	s22 =	sshll.u32 s9, $0x1;
	s6 =	sadd.s32 s7, s20  }
0x9f: {  	s10 =	simm.s32 $0x0;
	s21 =	sshll.u32 s8, $0x1;
	s8 =	sadd.s32 s22, s6  }
0xa0: {  	[timem:s10], [sflag:s23] =	dma.local [hbm:s8], s21  }
0xa1: {  	_ =	swait.ge [sflag:s23], s21  }
0xa2: {  	s7 =	ssub.s32 $0x0, s21;
	[sflag:s23] =	ssyncset.done $0x0  }
0xa3: {  	[sflag:s23] =	ssyncadd.s32 s7;
	_ =	sdelay $0x1  }
0xa4: {  	s24 =	simm.s32 $0x1B8B  }
0xa5: {  	_ =	swait.ge [sflag:s24], $0x1  }
0xa6: {  	[sflag:s24] =	ssyncset.done $0x0  }
0xa7: {  	s25 =	simm.s32 $0x1B8E;
	[sflag:s24] =	ssyncadd.s32 $0xFFFFFFFF  }
0xa8: {  	s26 =	simm.s32 $execute0_lowered;
	[smem:$0x3FD2] =	sst s25  }
0xa9: {  	s7 =	sshll.u32 s26, $0x1;
	_ =	strace $0x80000046;
	[dreg:$0x1] =	wrdreg $0xFFFFFFFF  }
0xaa: {  	s28 =	simm.s32 $_size_execute0_lowered;
	s6 =	sadd.s32 s6, s7;
	[dreg:$0x0] =	wrdreg $0x0  }
0xab: {  	s7 =	sshll.u32 s28, $0x1;
	[dreg:$0x2] =	wrdreg s6  }
0xac: {  	[dreg:$0x3] =	wrdreg s7  }
0xad: {  	[dreg:$0x4] =	wrdreg $0xC0  }
0xae: {  	_ =	task [dreg:s10], $0x5FFFF  }
0xaf: {  	[dreg:$0x1] =	wrdreg $0xFFFFFFFF  }
0xb0: {  	[dreg:$0x0] =	wrdreg $0x60  }
0xb1: {  	[dreg:$0x2] =	wrdreg s2  }
0xb2: {  	[dreg:$0x3] =	wrdreg s19  }
0xb3: {  	[dreg:$0x4] =	wrdreg s4  }
0xb4: {  	[dreg:$0x5] =	wrdreg s5  }
0xb5: {  	[dreg:$0x6] =	wrdreg $0x9  }
0xb6: {  	_ =	task.clear_ibuf [dreg:s10], $0x7FFFF;
	_ =	strace $0x90000046  }
0xb7: {  	s29 =	simm.s32 $0x9;
	_ =	strace $0x80000048  }
0xb8: {  	_ =	swait.ge [sflag:s29], $0x1  }
0xb9: {  	[sflag:s29] =	ssyncadd.s32 $0xFFFFFFFF  }
0xba: {  	_ =	strace $0x90000048  }
0xbb: {  	_ =	sfence  }
0xbc: {  	s30 =	sld [smem:$0x0];
	_ =	sdelay $0x2  }
0xbd: {  	s31 =	sshll.u32 s1, $0xD;
	s1 =	sshrl.u32 s1, $0x2  }
0xbe: {  	s3 =	sand.u32 $0x4000, s31;
	s1 =	sadd.s32 s1, s30  }
0xbf: {  	s0 =	sor.u32 s3, s0;
	s1 =	sshll.u32 s1, $0x11  }
0xc0: {  	s0 =	sor.u32 s1, s0  }
0xc1: {  	s0 =	sadd.s32 $0x8F2B, s0  }
0xc2: {  	[sflag:s0] =	ssyncadd.remote.s32 $0x1  }
0xc3: {  	_ =	sfence.sel $0xFFFF  }
0xc4: {  	[dreg:$0x0] =	wrdreg $0xFFFFFFFF;
	(pc) =	sbr.abs _section_cstart, $3  }
0xc5: {  	[dreg:$0x1] =	wrdreg $0xFFFFFFFF  }
0xc6: {  	_ =	task.clear_ibuf [dreg:s10], $0x2FFFF;
	_ =	strace $0x9FFFFFFF  }
0xc7: {  	(tm) =	ssettm $0x7FFFFFFF  }
tec
execute0_lowered:
.L_overlay_start_1:
0x0: {  	(tag) =	ssettag $0x1  }
0x1: {  	s1 =	rddreg [dreg:$0x0]  }
0x2: {  	s0 =	srdreg.scid;
	s3 =	simm.s32 $0x0;
	s4 =	stileid.u32  }
0x3: {  	s9 =	simm.s32 $0x2;
	s28 =	simm.s32 $0x8100;
	s29 =	simm.s32 $0x8900  }
0x4: {  	s30 =	simm.s32 $0x9100;
	s31 =	simm.s32 $0x9900;
	s5 =	simm.s32 $0xA900  }
0x5: {  	s8 =	simm.s32 $0xB100;
	s6 =	simm.s32 $0xD100;
	s10 =	simm.s32 $0xD900  }
0x6: {  	s11 =	simm.s32 $0xE100;
	s12 =	simm.s32 $0xE900;
	s13 =	simm.s32 $0xF100  }
0x7: {  	s14 =	simm.s32 $0xF900;
	s15 =	simm.s32 $0x1;
	s16 =	simm.s32 $0x10100  }
0x8: {  	s18 =	simm.s32 $0x0;
	s0 =	sand.u32 $0x1, s0;
	[smem:$0x7FF] =	sst s3  }
0x9: {  	s4 =	sshll.u32 s4, $0x1;
	s3 =	simm.s32 $0xC100;
	s2 =	ssub.s32 $0x2, s0  }
0xa: {  	_ =	strace $0x80000047;
	s0 =	sor.u32 s0, s4;
	s25 =	sshrl.u32 s2, $0x1  }
0xb: {  	v2 =	vlaneseq.u32;
	s4 =	simm.s32 $0xC900;
	s7 =	smul.u32 $0x2780, s0;
	s2 =	ssub.s32 s2, s25  }
0xc: {  	vm0 =	vmmov $0xffff;
	v1 =	vshrl.u32 v2, $0x3;
	s0 =	simm.s32 $0xA100;
	s25 =	simm.s32 $0x7100;
	s26 =	smax.u32 s2, $0x1  }
0xd: {  	v0 =	vand.u32 $0x7, v2;
	v2 =	vor.u32 $0x8, v2;
	v1 =	vmul.u32 $0x8, v1;
	s2 =	simm.s32 $0xB900;
	[dreg:$0x5] =	wrdreg s26;
	s26 =	simm.s32 $0x7900  }
.LBB2_1:
0xe: {  	[dreg:$0x6] =	wrdreg s18;
	s17 =	simm.s32 $0x0  }
.LBB2_2:
0xf: {  	s18 =	sshll.u32 s17, $0x7  }
0x10: {  	s18 =	sadd.s32 s7, s18  }
0x11: {  	s19 =	rddreg [dreg:$0x1];
	s20 =	sshrl.u32 s18, $0x3  }
0x12: {  	s21 =	sadd.s32 s19, s20;
	s19 =	simm.s32 $0x0  }
0x13: {  	[tilespmem:s19], [sflag:$0x2] =	stream.linear.gather [hbm4b:s21+s19], $0x80, $0x38;
	[tilespmem:$0x14100] =	vst v63  }
0x14: {  	_ =	swait.ge [sflag:s9], $0x80  }
0x15: {  	[sflag:s9] =	ssyncset.done $0x0  }
0x16: {  	[sflag:s9] =	ssyncadd.s32 $0xFFFFFF80  }
0x17: {  	s23 =	rddreg [dreg:$0x2]  }
0x18: {  	s24 =	simm.s32 $0x80;
	s20 =	sadd.s32 s23, s20  }
0x19: {  	[tilespmem:s24], [sflag:$0x2] =	stream.linear.gather [hbm4b:s20+s19], $0x80, $0x38;
	[tilespmem:$0x14100] =	vst v63  }
0x1a: {  	_ =	swait.ge [sflag:s9], $0x80  }
0x1b: {  	[sflag:s9] =	ssyncset.done $0x0  }
0x1c: {  	[sflag:s9] =	ssyncadd.s32 $0xFFFFFF80  }
0x1d: {  	v3 =	vld [tilespmem:$0x0];
	_ =	sdelay $0x4  }
0x1e: {  	v4 =	vshll.u32 v3, $0x1  }
0x1f: {  	v3 =	vand.u32 $0x7, v3;
	v4 =	vand.u32 $0xFFFFFFF0, v4  }
0x20: {  	v3 =	vor.u32 v3, v4  }
0x21: {  	v4 =	vperm.xlane v3, v0;
	_ =	sdelay $0x1  }
0x22: {  	v3 =	vperm.xlane v3, v2;
	v4 =	vadd.s32 v1, v4;
	_ =	sdelay $0x1  }
0x23: {  	v3 =	vadd.s32 v1, v3;
	_ =	sdelay $0x1  }
0x24: {  	s21 =	simm.s32 $0x100  }
0x25: {  	[tilespmem:s21], [sflag:$0x1] =	stream.indirect_vreg.gather [hbm4b:s1+s19], $0x80, v4, vm0, $0xb8;
	[tilespmem:$0x14100] =	vst v63  }
0x26: {  	s22 =	simm.s32 $0x900  }
0x27: {  	[tilespmem:s22], [sflag:$0x1] =	stream.indirect_vreg.gather [hbm4b:s1+s19], $0x80, v3, vm0, $0xb8;
	[tilespmem:$0x14100] =	vst v63  }
0x28: {  	v3 =	vld [tilespmem:$0x10];
	_ =	sdelay $0x4  }
0x29: {  	v4 =	vshll.u32 v3, $0x1  }
0x2a: {  	v3 =	vand.u32 $0x7, v3;
	v4 =	vand.u32 $0xFFFFFFF0, v4  }
0x2b: {  	v3 =	vor.u32 v3, v4  }
0x2c: {  	v4 =	vperm.xlane v3, v0;
	_ =	sdelay $0x1  }
0x2d: {  	v3 =	vperm.xlane v3, v2;
	v4 =	vadd.s32 v1, v4;
	_ =	sdelay $0x1  }
0x2e: {  	v3 =	vadd.s32 v1, v3;
	_ =	sdelay $0x1  }
0x2f: {  	s23 =	simm.s32 $0x1100  }
0x30: {  	[tilespmem:s23], [sflag:$0x1] =	stream.indirect_vreg.gather [hbm4b:s1+s19], $0x80, v4, vm0, $0xb8;
	[tilespmem:$0x14100] =	vst v63  }
0x31: {  	s24 =	simm.s32 $0x1900  }
0x32: {  	[tilespmem:s24], [sflag:$0x1] =	stream.indirect_vreg.gather [hbm4b:s1+s19], $0x80, v3, vm0, $0xb8;
	[tilespmem:$0x14100] =	vst v63  }
0x33: {  	v3 =	vld [tilespmem:$0x20];
	_ =	sdelay $0x4  }
0x34: {  	v4 =	vshll.u32 v3, $0x1  }
0x35: {  	v3 =	vand.u32 $0x7, v3;
	v4 =	vand.u32 $0xFFFFFFF0, v4  }
0x36: {  	v3 =	vor.u32 v3, v4  }
0x37: {  	v4 =	vperm.xlane v3, v0;
	_ =	sdelay $0x1  }
0x38: {  	v3 =	vperm.xlane v3, v2;
	v4 =	vadd.s32 v1, v4;
	_ =	sdelay $0x1  }
0x39: {  	v3 =	vadd.s32 v1, v3;
	_ =	sdelay $0x1  }
0x3a: {  	s21 =	simm.s32 $0x2100  }
0x3b: {  	[tilespmem:s21], [sflag:$0x1] =	stream.indirect_vreg.gather [hbm4b:s1+s19], $0x80, v4, vm0, $0xb8;
	[tilespmem:$0x14100] =	vst v63  }
0x3c: {  	s22 =	simm.s32 $0x2900  }
0x3d: {  	[tilespmem:s22], [sflag:$0x1] =	stream.indirect_vreg.gather [hbm4b:s1+s19], $0x80, v3, vm0, $0xb8;
	[tilespmem:$0x14100] =	vst v63  }
0x3e: {  	v3 =	vld [tilespmem:$0x30];
	_ =	sdelay $0x4  }
0x3f: {  	v4 =	vshll.u32 v3, $0x1  }
0x40: {  	v3 =	vand.u32 $0x7, v3;
	v4 =	vand.u32 $0xFFFFFFF0, v4  }
0x41: {  	v3 =	vor.u32 v3, v4  }
0x42: {  	v4 =	vperm.xlane v3, v0;
	_ =	sdelay $0x1  }
0x43: {  	v3 =	vperm.xlane v3, v2;
	v4 =	vadd.s32 v1, v4;
	_ =	sdelay $0x1  }
0x44: {  	v3 =	vadd.s32 v1, v3;
	_ =	sdelay $0x1  }
0x45: {  	s23 =	simm.s32 $0x3100  }
0x46: {  	[tilespmem:s23], [sflag:$0x1] =	stream.indirect_vreg.gather [hbm4b:s1+s19], $0x80, v4, vm0, $0xb8;
	[tilespmem:$0x14100] =	vst v63  }
0x47: {  	s24 =	simm.s32 $0x3900  }
0x48: {  	[tilespmem:s24], [sflag:$0x1] =	stream.indirect_vreg.gather [hbm4b:s1+s19], $0x80, v3, vm0, $0xb8;
	[tilespmem:$0x14100] =	vst v63  }
0x49: {  	v3 =	vld [tilespmem:$0x40];
	_ =	sdelay $0x4  }
0x4a: {  	v4 =	vshll.u32 v3, $0x1  }
0x4b: {  	v3 =	vand.u32 $0x7, v3;
	v4 =	vand.u32 $0xFFFFFFF0, v4  }
0x4c: {  	v3 =	vor.u32 v3, v4  }
0x4d: {  	v4 =	vperm.xlane v3, v0;
	_ =	sdelay $0x1  }
0x4e: {  	v3 =	vperm.xlane v3, v2;
	v4 =	vadd.s32 v1, v4;
	_ =	sdelay $0x1  }
0x4f: {  	v3 =	vadd.s32 v1, v3;
	_ =	sdelay $0x1  }
0x50: {  	s21 =	simm.s32 $0x4100  }
0x51: {  	[tilespmem:s21], [sflag:$0x1] =	stream.indirect_vreg.gather [hbm4b:s1+s19], $0x80, v4, vm0, $0xb8;
	[tilespmem:$0x14100] =	vst v63  }
0x52: {  	s22 =	simm.s32 $0x4900  }
0x53: {  	[tilespmem:s22], [sflag:$0x1] =	stream.indirect_vreg.gather [hbm4b:s1+s19], $0x80, v3, vm0, $0xb8;
	[tilespmem:$0x14100] =	vst v63  }
0x54: {  	v3 =	vld [tilespmem:$0x50];
	_ =	sdelay $0x4  }
0x55: {  	v4 =	vshll.u32 v3, $0x1  }
0x56: {  	v3 =	vand.u32 $0x7, v3;
	v4 =	vand.u32 $0xFFFFFFF0, v4  }
0x57: {  	v3 =	vor.u32 v3, v4  }
0x58: {  	v4 =	vperm.xlane v3, v0;
	_ =	sdelay $0x1  }
0x59: {  	v3 =	vperm.xlane v3, v2;
	v4 =	vadd.s32 v1, v4;
	_ =	sdelay $0x1  }
0x5a: {  	v3 =	vadd.s32 v1, v3;
	_ =	sdelay $0x1  }
0x5b: {  	s23 =	simm.s32 $0x5100  }
0x5c: {  	[tilespmem:s23], [sflag:$0x1] =	stream.indirect_vreg.gather [hbm4b:s1+s19], $0x80, v4, vm0, $0xb8;
	[tilespmem:$0x14100] =	vst v63  }
0x5d: {  	s24 =	simm.s32 $0x5900  }
0x5e: {  	[tilespmem:s24], [sflag:$0x1] =	stream.indirect_vreg.gather [hbm4b:s1+s19], $0x80, v3, vm0, $0xb8;
	[tilespmem:$0x14100] =	vst v63  }
0x5f: {  	v3 =	vld [tilespmem:$0x60];
	_ =	sdelay $0x4  }
0x60: {  	v4 =	vshll.u32 v3, $0x1  }
0x61: {  	v3 =	vand.u32 $0x7, v3;
	v4 =	vand.u32 $0xFFFFFFF0, v4  }
0x62: {  	v3 =	vor.u32 v3, v4  }
0x63: {  	v4 =	vperm.xlane v3, v0;
	_ =	sdelay $0x1  }
0x64: {  	v3 =	vperm.xlane v3, v2;
	v4 =	vadd.s32 v1, v4;
	_ =	sdelay $0x1  }
0x65: {  	v3 =	vadd.s32 v1, v3;
	_ =	sdelay $0x1  }
0x66: {  	s21 =	simm.s32 $0x6100  }
0x67: {  	[tilespmem:s21], [sflag:$0x1] =	stream.indirect_vreg.gather [hbm4b:s1+s19], $0x80, v4, vm0, $0xb8;
	[tilespmem:$0x14100] =	vst v63  }
0x68: {  	s22 =	simm.s32 $0x6900  }
0x69: {  	[tilespmem:s22], [sflag:$0x1] =	stream.indirect_vreg.gather [hbm4b:s1+s19], $0x80, v3, vm0, $0xb8;
	[tilespmem:$0x14100] =	vst v63  }
0x6a: {  	v3 =	vld [tilespmem:$0x70];
	_ =	sdelay $0x4  }
0x6b: {  	v4 =	vshll.u32 v3, $0x1  }
0x6c: {  	v3 =	vand.u32 $0x7, v3;
	v4 =	vand.u32 $0xFFFFFFF0, v4  }
0x6d: {  	v3 =	vor.u32 v3, v4  }
0x6e: {  	v4 =	vperm.xlane v3, v0;
	_ =	sdelay $0x1  }
0x6f: {  	v3 =	vperm.xlane v3, v2;
	v4 =	vadd.s32 v1, v4;
	_ =	sdelay $0x1  }
0x70: {  	v3 =	vadd.s32 v1, v3;
	_ =	sdelay $0x2  }
0x71: {  	[tilespmem:s25], [sflag:$0x1] =	stream.indirect_vreg.gather [hbm4b:s1+s19], $0x80, v4, vm0, $0xb8;
	[tilespmem:$0x14100] =	vst v63  }
0x72: {  	_ = 	snop  }
0x73: {  	[tilespmem:s26], [sflag:$0x1] =	stream.indirect_vreg.gather [hbm4b:s1+s19], $0x80, v3, vm0, $0xb8;
	[tilespmem:$0x14100] =	vst v63  }
0x74: {  	v3 =	vld [tilespmem:$0x80];
	_ =	sdelay $0x4  }
0x75: {  	v4 =	vshll.u32 v3, $0x1  }
0x76: {  	v3 =	vand.u32 $0x7, v3;
	v4 =	vand.u32 $0xFFFFFFF0, v4  }
0x77: {  	v3 =	vor.u32 v3, v4  }
0x78: {  	v4 =	vperm.xlane v3, v0;
	_ =	sdelay $0x1  }
0x79: {  	v3 =	vperm.xlane v3, v2;
	v4 =	vadd.s32 v1, v4;
	_ =	sdelay $0x1  }
0x7a: {  	v3 =	vadd.s32 v1, v3;
	_ =	sdelay $0x2  }
0x7b: {  	[tilespmem:s28], [sflag:$0x1] =	stream.indirect_vreg.gather [hbm4b:s1+s19], $0x80, v4, vm0, $0xb8;
	[tilespmem:$0x14100] =	vst v63  }
0x7c: {  	_ = 	snop  }
0x7d: {  	[tilespmem:s29], [sflag:$0x1] =	stream.indirect_vreg.gather [hbm4b:s1+s19], $0x80, v3, vm0, $0xb8;
	[tilespmem:$0x14100] =	vst v63  }
0x7e: {  	v3 =	vld [tilespmem:$0x90];
	_ =	sdelay $0x4  }
0x7f: {  	v4 =	vshll.u32 v3, $0x1  }
0x80: {  	v3 =	vand.u32 $0x7, v3;
	v4 =	vand.u32 $0xFFFFFFF0, v4  }
0x81: {  	v3 =	vor.u32 v3, v4  }
0x82: {  	v4 =	vperm.xlane v3, v0;
	_ =	sdelay $0x1  }
0x83: {  	v3 =	vperm.xlane v3, v2;
	v4 =	vadd.s32 v1, v4;
	_ =	sdelay $0x1  }
0x84: {  	v3 =	vadd.s32 v1, v3;
	_ =	sdelay $0x2  }
0x85: {  	[tilespmem:s30], [sflag:$0x1] =	stream.indirect_vreg.gather [hbm4b:s1+s19], $0x80, v4, vm0, $0xb8;
	[tilespmem:$0x14100] =	vst v63  }
0x86: {  	_ = 	snop  }
0x87: {  	[tilespmem:s31], [sflag:$0x1] =	stream.indirect_vreg.gather [hbm4b:s1+s19], $0x80, v3, vm0, $0xb8;
	[tilespmem:$0x14100] =	vst v63  }
0x88: {  	v3 =	vld [tilespmem:$0xA0];
	_ =	sdelay $0x4  }
0x89: {  	v4 =	vshll.u32 v3, $0x1  }
0x8a: {  	v3 =	vand.u32 $0x7, v3;
	v4 =	vand.u32 $0xFFFFFFF0, v4  }
0x8b: {  	v3 =	vor.u32 v3, v4  }
0x8c: {  	v4 =	vperm.xlane v3, v0;
	_ =	sdelay $0x1  }
0x8d: {  	v3 =	vperm.xlane v3, v2;
	v4 =	vadd.s32 v1, v4;
	_ =	sdelay $0x1  }
0x8e: {  	v3 =	vadd.s32 v1, v3;
	_ =	sdelay $0x2  }
0x8f: {  	[tilespmem:s0], [sflag:$0x1] =	stream.indirect_vreg.gather [hbm4b:s1+s19], $0x80, v4, vm0, $0xb8;
	[tilespmem:$0x14100] =	vst v63  }
0x90: {  	_ = 	snop  }
0x91: {  	[tilespmem:s5], [sflag:$0x1] =	stream.indirect_vreg.gather [hbm4b:s1+s19], $0x80, v3, vm0, $0xb8;
	[tilespmem:$0x14100] =	vst v63  }
0x92: {  	v3 =	vld [tilespmem:$0xB0];
	_ =	sdelay $0x4  }
0x93: {  	v4 =	vshll.u32 v3, $0x1  }
0x94: {  	v3 =	vand.u32 $0x7, v3;
	v4 =	vand.u32 $0xFFFFFFF0, v4  }
0x95: {  	v3 =	vor.u32 v3, v4  }
0x96: {  	v4 =	vperm.xlane v3, v0;
	_ =	sdelay $0x1  }
0x97: {  	v3 =	vperm.xlane v3, v2;
	v4 =	vadd.s32 v1, v4;
	_ =	sdelay $0x1  }
0x98: {  	v3 =	vadd.s32 v1, v3;
	_ =	sdelay $0x2  }
0x99: {  	[tilespmem:s8], [sflag:$0x1] =	stream.indirect_vreg.gather [hbm4b:s1+s19], $0x80, v4, vm0, $0xb8;
	[tilespmem:$0x14100] =	vst v63  }
0x9a: {  	_ = 	snop  }
0x9b: {  	[tilespmem:s2], [sflag:$0x1] =	stream.indirect_vreg.gather [hbm4b:s1+s19], $0x80, v3, vm0, $0xb8;
	[tilespmem:$0x14100] =	vst v63  }
0x9c: {  	v3 =	vld [tilespmem:$0xC0];
	_ =	sdelay $0x4  }
0x9d: {  	v4 =	vshll.u32 v3, $0x1  }
0x9e: {  	v3 =	vand.u32 $0x7, v3;
	v4 =	vand.u32 $0xFFFFFFF0, v4  }
0x9f: {  	v3 =	vor.u32 v3, v4  }
0xa0: {  	v4 =	vperm.xlane v3, v0;
	_ =	sdelay $0x1  }
0xa1: {  	v3 =	vperm.xlane v3, v2;
	v4 =	vadd.s32 v1, v4;
	_ =	sdelay $0x1  }
0xa2: {  	v3 =	vadd.s32 v1, v3;
	_ =	sdelay $0x2  }
0xa3: {  	[tilespmem:s3], [sflag:$0x1] =	stream.indirect_vreg.gather [hbm4b:s1+s19], $0x80, v4, vm0, $0xb8;
	[tilespmem:$0x14100] =	vst v63  }
0xa4: {  	_ = 	snop  }
0xa5: {  	[tilespmem:s4], [sflag:$0x1] =	stream.indirect_vreg.gather [hbm4b:s1+s19], $0x80, v3, vm0, $0xb8;
	[tilespmem:$0x14100] =	vst v63  }
0xa6: {  	v3 =	vld [tilespmem:$0xD0];
	_ =	sdelay $0x4  }
0xa7: {  	v4 =	vshll.u32 v3, $0x1  }
0xa8: {  	v3 =	vand.u32 $0x7, v3;
	v4 =	vand.u32 $0xFFFFFFF0, v4  }
0xa9: {  	v3 =	vor.u32 v3, v4  }
0xaa: {  	v4 =	vperm.xlane v3, v0;
	_ =	sdelay $0x1  }
0xab: {  	v3 =	vperm.xlane v3, v2;
	v4 =	vadd.s32 v1, v4;
	_ =	sdelay $0x1  }
0xac: {  	v3 =	vadd.s32 v1, v3;
	_ =	sdelay $0x2  }
0xad: {  	[tilespmem:s6], [sflag:$0x1] =	stream.indirect_vreg.gather [hbm4b:s1+s19], $0x80, v4, vm0, $0xb8;
	[tilespmem:$0x14100] =	vst v63  }
0xae: {  	_ = 	snop  }
0xaf: {  	[tilespmem:s10], [sflag:$0x1] =	stream.indirect_vreg.gather [hbm4b:s1+s19], $0x80, v3, vm0, $0xb8;
	[tilespmem:$0x14100] =	vst v63  }
0xb0: {  	v3 =	vld [tilespmem:$0xE0];
	_ =	sdelay $0x4  }
0xb1: {  	v4 =	vshll.u32 v3, $0x1  }
0xb2: {  	v3 =	vand.u32 $0x7, v3;
	v4 =	vand.u32 $0xFFFFFFF0, v4  }
0xb3: {  	v3 =	vor.u32 v3, v4  }
0xb4: {  	v4 =	vperm.xlane v3, v0;
	_ =	sdelay $0x1  }
0xb5: {  	v3 =	vperm.xlane v3, v2;
	v4 =	vadd.s32 v1, v4;
	_ =	sdelay $0x1  }
0xb6: {  	v3 =	vadd.s32 v1, v3;
	_ =	sdelay $0x2  }
0xb7: {  	[tilespmem:s11], [sflag:$0x1] =	stream.indirect_vreg.gather [hbm4b:s1+s19], $0x80, v4, vm0, $0xb8;
	[tilespmem:$0x14100] =	vst v63  }
0xb8: {  	_ = 	snop  }
0xb9: {  	[tilespmem:s12], [sflag:$0x1] =	stream.indirect_vreg.gather [hbm4b:s1+s19], $0x80, v3, vm0, $0xb8;
	[tilespmem:$0x14100] =	vst v63  }
0xba: {  	v3 =	vld [tilespmem:$0xF0];
	_ =	sdelay $0x4  }
0xbb: {  	v4 =	vshll.u32 v3, $0x1  }
0xbc: {  	v3 =	vand.u32 $0x7, v3;
	v4 =	vand.u32 $0xFFFFFFF0, v4  }
0xbd: {  	v3 =	vor.u32 v3, v4  }
0xbe: {  	v4 =	vperm.xlane v3, v0;
	_ =	sdelay $0x1  }
0xbf: {  	v3 =	vperm.xlane v3, v2;
	v4 =	vadd.s32 v1, v4;
	_ =	sdelay $0x1  }
0xc0: {  	v3 =	vadd.s32 v1, v3;
	_ =	sdelay $0x2  }
0xc1: {  	[tilespmem:s13], [sflag:$0x1] =	stream.indirect_vreg.gather [hbm4b:s1+s19], $0x80, v4, vm0, $0xb8;
	[tilespmem:$0x14100] =	vst v63  }
0xc2: {  	_ = 	snop  }
0xc3: {  	[tilespmem:s14], [sflag:$0x1] =	stream.indirect_vreg.gather [hbm4b:s1+s19], $0x80, v3, vm0, $0xb8;
	[tilespmem:$0x14100] =	vst v63  }
0xc4: {  	_ =	swait.ge [sflag:s15], $0x8000  }
0xc5: {  	[sflag:s15] =	ssyncset.done $0x0  }
0xc6: {  	[sflag:s15] =	ssyncadd.s32 $0xFFFF8000  }
0xc7: {  	_ =	swait.ge [sflag:s15], $0x8000  }
0xc8: {  	s23 =	sand.u32 $0x7800, s19;
	s24 =	sand.u32 $0x380, s19;
	[sflag:s15] =	ssyncset.done $0x0  }
0xc9: {  	s20 =	sor.u32 s24, s23;
	[sflag:s15] =	ssyncadd.s32 $0xFFFF8000  }
0xca: {  	v3 =	vld [tilespmem:s20+$0x8500]  }
0xcb: {  	v4 =	vld [tilespmem:s20+$0x8100]  }
0xcc: {  	v5 =	vld [tilespmem:s20+$0x500]  }
0xcd: {  	v6 =	vld [tilespmem:s20+$0x100];
	_ =	sdelay $0x4  }
0xce: {  	v3 =	vsub.f32 v5, v3;
	v4 =	vsub.f32 v6, v4;
	_ =	sdelay $0x1  }
0xcf: {  	v3 =	vmul.f32 v3, v4  }
0xd0: {  	s21 =	simm.s32 $0x10140  }
0xd1: {  	[tilespmem:s21+$0xFFFFFFC0] =	vst v3  }
0xd2: {  	v3 =	vld [tilespmem:s20+$0x110]  }
0xd3: {  	v4 =	vld [tilespmem:s20+$0x8110]  }
0xd4: {  	v5 =	vld [tilespmem:s20+$0x8510]  }
0xd5: {  	v59 =	vld [tilespmem:s20+$0x510];
	_ =	sdelay $0x4  }
0xd6: {  	v3 =	vsub.f32 v3, v4;
	v4 =	vsub.f32 v59, v5;
	_ =	sdelay $0x1  }
0xd7: {  	v3 =	vmul.f32 v4, v3;
	_ =	sdelay $0x1  }
0xd8: {  	[tilespmem:s21+$0xFFFFFFD0] =	vst v3  }
0xd9: {  	v3 =	vld [tilespmem:s20+$0x8520]  }
0xda: {  	v4 =	vld [tilespmem:s20+$0x8120]  }
0xdb: {  	v5 =	vld [tilespmem:s20+$0x120]  }
0xdc: {  	v60 =	vld [tilespmem:s20+$0x520];
	_ =	sdelay $0x4  }
0xdd: {  	v4 =	vsub.f32 v5, v4;
	v3 =	vsub.f32 v60, v3;
	_ =	sdelay $0x1  }
0xde: {  	v3 =	vmul.f32 v3, v4;
	_ =	sdelay $0x1  }
0xdf: {  	[tilespmem:s21+$0xFFFFFFE0] =	vst v3  }
0xe0: {  	v3 =	vld [tilespmem:s20+$0x8130]  }
0xe1: {  	v4 =	vld [tilespmem:s20+$0x130]  }
0xe2: {  	v5 =	vld [tilespmem:s20+$0x8530]  }
0xe3: {  	v61 =	vld [tilespmem:s20+$0x530];
	_ =	sdelay $0x4  }
0xe4: {  	v3 =	vsub.f32 v4, v3;
	v4 =	vsub.f32 v61, v5;
	_ =	sdelay $0x1  }
0xe5: {  	v3 =	vmul.f32 v4, v3;
	_ =	sdelay $0x1  }
0xe6: {  	[tilespmem:s21+$0xFFFFFFF0] =	vst v3  }
0xe7: {  	v3 =	vld [tilespmem:s20+$0x8140]  }
0xe8: {  	v4 =	vld [tilespmem:s20+$0x8540]  }
0xe9: {  	v5 =	vld [tilespmem:s20+$0x140]  }
0xea: {  	v62 =	vld [tilespmem:s20+$0x540];
	_ =	sdelay $0x4  }
0xeb: {  	v3 =	vsub.f32 v5, v3;
	v4 =	vsub.f32 v62, v4;
	_ =	sdelay $0x1  }
0xec: {  	v3 =	vmul.f32 v4, v3;
	_ =	sdelay $0x1  }
0xed: {  	[tilespmem:s21+$0x0] =	vst v3  }
0xee: {  	v3 =	vld [tilespmem:s20+$0x8150]  }
0xef: {  	v4 =	vld [tilespmem:s20+$0x8550]  }
0xf0: {  	v5 =	vld [tilespmem:s20+$0x150]  }
0xf1: {  	v63 =	vld [tilespmem:s20+$0x550];
	_ =	sdelay $0x4  }
0xf2: {  	v3 =	vsub.f32 v5, v3;
	v4 =	vsub.f32 v63, v4;
	_ =	sdelay $0x1  }
0xf3: {  	v3 =	vmul.f32 v4, v3;
	_ =	sdelay $0x1  }
0xf4: {  	[tilespmem:s21+$0x10] =	vst v3  }
0xf5: {  	s23 =	simm.s32 $0x100;
	s22 =	simm.s32 $0x10140;
	v3 =	vld [tilespmem:s20+$0x8560]  }
.LBB2_3:
0xf6: {  	p0 =	sne.s32 s23, $0x7F00;
	v4 =	vld [tilespmem:s20+$0x160];
	s19 =	sadd.s32 $0x80, s19;
	s21 =	sadd.s32 $0x80, s21  }
0xf7: {  	s24 =	smov.u32 s23;
	s23 =	sadd.s32 $0x100, s23;
	v5 =	vld [tilespmem:s20+$0x8160]  }
0xf8: {  	v6 =	vld [tilespmem:s20+$0x560];
	_ =	sdelay $0x3  }
0xf9: {  	v4 =	vsub.f32 v4, v5  }
0xfa: {  	v3 =	vsub.f32 v6, v3;
	_ =	sdelay $0x1  }
0xfb: {  	v3 =	vmul.f32 v3, v4;
	_ =	sdelay $0x1  }
0xfc: {  	[tilespmem:s22+$0x20] =	vst v3  }
0xfd: {  	v3 =	vld [tilespmem:s20+$0x170]  }
0xfe: {  	v4 =	vld [tilespmem:s20+$0x8570]  }
0xff: {  	v5 =	vld [tilespmem:s20+$0x8170]  }
0x100: {  	v6 =	vld [tilespmem:s20+$0x570];
	_ =	sdelay $0x3  }
0x101: {  	v3 =	vsub.f32 v3, v5  }
0x102: {  	v4 =	vsub.f32 v6, v4;
	_ =	sdelay $0x1  }
0x103: {  	v3 =	vmul.f32 v4, v3  }
0x104: {  	s20 =	sand.u32 $0x7800, s24;
	s24 =	sand.u32 $0x380, s19  }
0x105: {  	s20 =	sor.u32 s24, s20;
	[tilespmem:s22+$0x30] =	vst v3;
	s22 =	smov.u32 s21  }
0x106: {  	v3 =	vld [tilespmem:s20+$0x8500]  }
0x107: {  	v4 =	vld [tilespmem:s20+$0x8100]  }
0x108: {  	v5 =	vld [tilespmem:s20+$0x500]  }
0x109: {  	v6 =	vld [tilespmem:s20+$0x100];
	_ =	sdelay $0x3  }
0x10a: {  	v3 =	vsub.f32 v5, v3  }
0x10b: {  	v4 =	vsub.f32 v6, v4;
	_ =	sdelay $0x1  }
0x10c: {  	v3 =	vmul.f32 v3, v4;
	_ =	sdelay $0x1  }
0x10d: {  	[tilespmem:s21+$0xFFFFFFC0] =	vst v3  }
0x10e: {  	v3 =	vld [tilespmem:s20+$0x110]  }
0x10f: {  	v4 =	vld [tilespmem:s20+$0x8110]  }
0x110: {  	v5 =	vld [tilespmem:s20+$0x8510]  }
0x111: {  	v6 =	vld [tilespmem:s20+$0x510];
	_ =	sdelay $0x2  }
0x112: {  	v3 =	vsub.f32 v3, v4;
	_ =	sdelay $0x1  }
0x113: {  	v4 =	vsub.f32 v6, v5;
	_ =	sdelay $0x1  }
0x114: {  	v3 =	vmul.f32 v4, v3;
	_ =	sdelay $0x1  }
0x115: {  	[tilespmem:s21+$0xFFFFFFD0] =	vst v3  }
0x116: {  	v3 =	vld [tilespmem:s20+$0x8520]  }
0x117: {  	v4 =	vld [tilespmem:s20+$0x8120]  }
0x118: {  	v5 =	vld [tilespmem:s20+$0x120]  }
0x119: {  	v6 =	vld [tilespmem:s20+$0x520];
	_ =	sdelay $0x3  }
0x11a: {  	v4 =	vsub.f32 v5, v4  }
0x11b: {  	v3 =	vsub.f32 v6, v3;
	_ =	sdelay $0x1  }
0x11c: {  	v3 =	vmul.f32 v3, v4;
	_ =	sdelay $0x1  }
0x11d: {  	[tilespmem:s21+$0xFFFFFFE0] =	vst v3  }
0x11e: {  	v3 =	vld [tilespmem:s20+$0x8130]  }
0x11f: {  	v4 =	vld [tilespmem:s20+$0x130]  }
0x120: {  	v5 =	vld [tilespmem:s20+$0x8530]  }
0x121: {  	v6 =	vld [tilespmem:s20+$0x530];
	_ =	sdelay $0x2  }
0x122: {  	v3 =	vsub.f32 v4, v3;
	_ =	sdelay $0x1  }
0x123: {  	v4 =	vsub.f32 v6, v5;
	_ =	sdelay $0x1  }
0x124: {  	v3 =	vmul.f32 v4, v3;
	_ =	sdelay $0x1  }
0x125: {  	[tilespmem:s21+$0xFFFFFFF0] =	vst v3  }
0x126: {  	v3 =	vld [tilespmem:s20+$0x8140]  }
0x127: {  	v4 =	vld [tilespmem:s20+$0x8540]  }
0x128: {  	v5 =	vld [tilespmem:s20+$0x140]  }
0x129: {  	v6 =	vld [tilespmem:s20+$0x540];
	_ =	sdelay $0x3  }
0x12a: {  	v3 =	vsub.f32 v5, v3  }
0x12b: {  	v4 =	vsub.f32 v6, v4;
	_ =	sdelay $0x1  }
0x12c: {  	v3 =	vmul.f32 v4, v3;
	_ =	sdelay $0x1  }
0x12d: {  	[tilespmem:s21+$0x0] =	vst v3  }
0x12e: {  	v3 =	vld [tilespmem:s20+$0x8150]  }
0x12f: {  	v4 =	vld [tilespmem:s20+$0x8550]  }
0x130: {  	v5 =	vld [tilespmem:s20+$0x150]  }
0x131: {  	v6 =	vld [tilespmem:s20+$0x550];
	_ =	sdelay $0x3  }
0x132: {  	v3 =	vsub.f32 v5, v3  }
0x133: {  	v4 =	vsub.f32 v6, v4  }
.Ltmp0:
0x134: {  	(pc) =	sbr.rel @p0 .LBB2_3-.Ltmp0, $3  }
0x135: {  	v3 =	vmul.f32 v4, v3;
	_ =	sdelay $0x1  }
0x136: {  	[tilespmem:s21+$0x10] =	vst v3  }
0x137: {  	v3 =	vld [tilespmem:s20+$0x8560]  }
0x138: {  	v4 =	vld [tilespmem:s20+$0x160]  }
0x139: {  	v5 =	vld [tilespmem:s20+$0x8160]  }
0x13a: {  	v6 =	vld [tilespmem:s20+$0x560];
	_ =	sdelay $0x4  }
0x13b: {  	v4 =	vsub.f32 v4, v5;
	v3 =	vsub.f32 v6, v3;
	_ =	sdelay $0x1  }
0x13c: {  	v3 =	vmul.f32 v3, v4;
	_ =	sdelay $0x1  }
0x13d: {  	[tilespmem:s22+$0x20] =	vst v3  }
0x13e: {  	v3 =	vld [tilespmem:s20+$0x170]  }
0x13f: {  	v61 =	vld [tilespmem:s20+$0x8570]  }
0x140: {  	v62 =	vld [tilespmem:s20+$0x8170]  }
0x141: {  	v63 =	vld [tilespmem:s20+$0x570];
	_ =	sdelay $0x4  }
0x142: {  	v3 =	vsub.f32 v3, v62;
	v4 =	vsub.f32 v63, v61;
	_ =	sdelay $0x1  }
0x143: {  	s17 =	sadd.s32 $0x1, s17;
	v3 =	vmul.f32 v4, v3  }
0x144: {  	s18 =	sshll.u32 s18, $0x4;
	s19 =	rddreg [dreg:$0x3];
	p0 =	sne.s32 s17, $0x4F  }
.Ltmp1:
0x145: {  	s24 =	simm.s32 $0x0;
	s18 =	sadd.s32 s19, s18;
	[tilespmem:s22+$0x30] =	vst v3;
	(pc) =	sbr.rel @p0 .LBB2_2-.Ltmp1, $4  }
0x146: {  	[hbm4b:s18+s24] =	stream.linear.scatter [tilespmem:s16], [sflag:$0x2], $0x4000, $0x38;
	[tilespmem:$0x14100] =	vst v63  }
0x147: {  	_ =	swait.ge [sflag:s9], $0x4000  }
0x148: {  	[sflag:s9] =	ssyncset.done $0x0  }
0x149: {  	[sflag:s9] =	ssyncadd.s32 $0xFFFFC000  }
0x14a: {  	s18 =	rddreg [dreg:$0x6]  }
0x14b: {  	s17 =	rddreg [dreg:$0x5];
	s18 =	sadd.s32 $0x1, s18  }
0x14c: {  	p0 =	sne.s32 s18, s17  }
.Ltmp2:
0x14d: {  	_ = 	snop;
	(pc) =	sbr.rel @p0 .LBB2_1-.Ltmp2, $1  }
0x14e: {  	_ =	sdelay $0x3  }
0x14f: {  	_ =	sfence.sel $0x180000  }
0x150: {  	[bflag:$0x0] =	sbarrier.arrive $0xFFFF  }
0x151: {  	_ =	strace $0x90000047  }
0x152: {  	s0 =	stileid.u32;
	[bflag:$0x2] =	sbarrier.arrive $0xFFFF  }
0x153: {  	p0 =	sne.s32 s0, $0x0;
	s0 =	rddreg [dreg:$0x4]  }
0x154: {  	s0 =	sadd.s32 @!p0 $0x100000, s0  }
0x155: {  	[sflag:s0] =	ssyncadd.tile.s32 @!p0 $0x1;
	_ =	shalt  }
.Lfunc_end2:
_tile_overlayer_lowered:
.L_overlay_start_2:
0x156: {  	(tag) =	ssettag $0x2  }
0x157: {  	s0 =	rddreg [dreg:$0x0];
	s2 =	stileid.u32  }
0x158: {  	s1 =	rddreg [dreg:$0x1];
	p0 =	sne.s32 s2, $0x0  }
0x159: {  	s3 =	rddreg [dreg:$0x2];
	[bflag:$0x3] =	sbarrier.arrive $0xFFFF;
	s2 =	simm.s32 @!p0 $0x1C02  }
0x15a: {  	[timem:s3], [sflag:s2] =	dma.local @!p0 [hbm:s0], s1  }
0x15b: {  	s0 =	simm.s32 @!p0 $0x2  }
0x15c: {  	_ =	swait.ge @!p0 [sflag:s0], s1  }
0x15d: {  	s1 =	ssub.s32 @!p0 $0x0, s1;
	[sflag:s0] =	ssyncset.done @!p0 $0x0  }
0x15e: {  	[sflag:s0] =	ssyncadd.s32 @!p0 s1  }
0x15f: {  	[bflag:$0x3] =	sbarrier.arrive $0xFFFF  }
0x160: {  	_ =	shalt  }

</sc_bundles>
